<compile_context>
chip_gen: v7x
topology: tpu7x:2x2x1
jax: 0.10.2.dev20260603
libtpu: 0.0.44.dev20260713+nightly
codegen_flags: <defaults>
</compile_context>

<pallas_src>
import functools

import jax
import jax.numpy as jnp
from jax import lax
from jax.experimental import pallas as pl
from jax.experimental.pallas import tpu as pltpu
from jax.experimental.pallas import tpu_sc as plsc

EMBED_DIM = 64
BATCH = 16384
VOCAB = 14641

_NC, _NS = 2, 16
_NW = _NC * _NS
_NG = EMBED_DIM // 8
_NQ = _NW // _NG
_BPQ = BATCH // _NQ
_L = 16


def _make_gather():
    mesh = plsc.VectorSubcoreMesh(core_axis_name="c", subcore_axis_name="s")

    @functools.partial(
        pl.kernel,
        mesh=mesh,
        out_type=jax.ShapeDtypeStruct((EMBED_DIM, BATCH), jnp.float32),
        scratch_types=[
            pltpu.VMEM((8, VOCAB), jnp.float32),
            pltpu.VMEM((_BPQ,), jnp.int32),
            pltpu.VMEM((2, 1, _BPQ), jnp.float32),
            pltpu.SemaphoreType.DMA,
            pltpu.SemaphoreType.DMA((8,)),
            pltpu.SemaphoreType.DMA,
        ],
        compiler_params=pltpu.CompilerParams(
            use_tc_tiling_on_sc=True,
            needs_layout_passes=False,
            disable_bounds_checks=True,
            disable_semaphore_checks=True,
            skip_device_barrier=True,
        ),
    )
    def gather_kernel(tabT_hbm, idx_hbm, outT_hbm, tab_v, idx_v, ob_v,
                      isem, lsems, ssem):
        wid = lax.axis_index("s") * _NC + lax.axis_index("c")
        g = wid % _NG
        q = wid // _NG

        load_idx = pltpu.async_copy(
            idx_hbm.at[pl.ds(q * _BPQ, _BPQ)], idx_v, isem)
        rows = [lax.rem(p + 2 * q, 8) for p in range(8)]
        row_loads = [
            pltpu.async_copy(
                tabT_hbm.at[pl.ds(g * 8 + rows[p], 1), :],
                tab_v.at[pl.ds(rows[p], 1)],
                lsems.at[p],
            )
            for p in range(8)
        ]
        load_idx.wait()

        def _store_desc(b):
            return pltpu.make_async_copy(
                ob_v.at[b],
                outT_hbm.at[pl.ds(g * 8 + b, 1), pl.ds(q * _BPQ, _BPQ)],
                ssem,
            )

        for p in range(8):
            b = p % 2
            r = rows[p]
            row_id = jnp.full((_L,), r, dtype=jnp.int32)
            row_loads[p].wait()
            if p >= 2:
                _store_desc(b).wait()

            @plsc.parallel_loop(0, _BPQ // _L, 1, unroll=8)
            def _group(t):
                col_idx = idx_v[pl.ds(t * _L, _L)]
                vals = plsc.load_gather(tab_v, [row_id, col_idx])
                ob_v[b, 0, pl.ds(t * _L, _L)] = vals

            pltpu.async_copy(
                ob_v.at[b],
                outT_hbm.at[pl.ds(g * 8 + r, 1), pl.ds(q * _BPQ, _BPQ)],
                ssem,
            )
        for b in range(2):
            _store_desc(b).wait()

    return gather_kernel


_gather = _make_gather()


def kernel(table, indices):
    return _gather(table.T, indices).T

# --- scband reference (transcript-rebuilt; emitter-appended) ---
"""Pipeline reference for scband-winding-state-embedding-55044300866264 (READ-ONLY COPY).

The authoritative reference and input builder live on the scoring server;
editing this copy changes nothing except your own understanding.
"""

import jax, jax.numpy as jnp
import numpy as np

MAX_N = 5
EMBED_DIM = 64
BATCH = 16384
PHI = 1.618033988749895


def _mode_norms(max_n):
    # Enumerate windings (n7, n8, n9, n10) in [-max_n, max_n]^4 in lexicographic order
    r = np.arange(-max_n, max_n + 1)
    n7, n8, n9, n10 = np.meshgrid(r, r, r, r, indexing='ij')
    norms = (n7 ** 2 + n8 ** 2 + n9 ** 2 + n10 ** 2).reshape(-1)
    return norms.astype(np.float32)


def setup_inputs(seed: int = 0) -> dict:
    key = jax.random.key(seed)
    k1, k2 = jax.random.split(key)
    vocab = (2 * MAX_N + 1) ** 4  # 14641
    # Faithful initialization: std = (1/sqrt(embed_dim)) * exp(-|n|^2 / (2*PHI)) per winding state
    norms = jnp.asarray(_mode_norms(MAX_N))
    init_scale = 1.0 / np.sqrt(EMBED_DIM)
    stds = init_scale * jnp.exp(-norms / (2.0 * PHI))
    table = jax.random.normal(k1, (vocab, EMBED_DIM), dtype=jnp.float32) * stds[:, None]
    indices = jax.random.randint(k2, (BATCH,), 0, vocab, dtype=jnp.int32)
    return {"table": table, "indices": indices}


def reference(table, indices):
    # batch_forward: stack per-winding embedding lookups == gather rows from the table
    return jnp.take(table, indices, axis=0)

if __name__ == "__main__":
    import jax
    _d = setup_inputs()
    print(jax.jit(kernel)(*tuple(_d.values())))

</pallas_src>

<mosaic_0001>
#map = affine_map<(d0, d1) -> (0, 0)>
#map1 = affine_map<(d0, d1) -> (0)>
module attributes {stable_mosaic.version = 14 : i64} {
  func.func @gather_kernel(%arg0: i32, %arg1: i32, %arg2: memref<64x14641xf32, #tpu.memory_space<hbm>>, %arg3: memref<16384xi32, #tpu.memory_space<hbm>>, %arg4: memref<64x16384xf32, #tpu.memory_space<hbm>>, %arg5: memref<8x14641xf32, #tpu.memory_space<vmem>>, %arg6: memref<4096xi32, #tpu.memory_space<vmem>>, %arg7: memref<2x1x4096xf32, #tpu.memory_space<vmem>>, %arg8: memref<!tpu.dma_semaphore, #tpu.memory_space<semaphore_mem>>, %arg9: memref<8x!tpu.dma_semaphore, #tpu.memory_space<semaphore_mem>>, %arg10: memref<!tpu.dma_semaphore, #tpu.memory_space<semaphore_mem>>) attributes {dimension_semantics = [#tpu.dimension_semantics<core_parallel>, #tpu.dimension_semantics<subcore_parallel>], iteration_bounds = array<i64: 2, 16>, scalar_prefetch = 0 : i64, scratch_operands = 6 : i64, tpu.core_type = #tpu.core_type<sc_vector_subcore>, window_params = [{transform_indices = #map}, {transform_indices = #map1}, {transform_indices = #map}]} {
    %mul3A = arith.constant 2 : i32
    %mul3A_0 = arith.muli %arg1, %mul3A : i32
    %add3A = arith.addi %mul3A_0, %arg0 : i32
    %jit3A = arith.constant 8 : i32
    %eq3A = arith.constant 0 : i32
    %eq3A_1 = arith.cmpi eq, %jit3A, %eq3A : i32
    %jit3A_2 = arith.constant 1 : i32
    %select_n3A = arith.select %eq3A_1, %jit3A_2, %jit3A : i32
    %rem3A = arith.remsi %add3A, %select_n3A : i32
    %ne3A = arith.constant 0 : i32
    %ne3A_3 = arith.cmpi ne, %rem3A, %ne3A : i32
    %lt3A = arith.constant 0 : i32
    %lt3A_4 = arith.cmpi slt, %rem3A, %lt3A : i32
    %lt3A_5 = arith.constant 0 : i32
    %lt3A_6 = arith.cmpi slt, %select_n3A, %lt3A_5 : i32
    %ne3A_7 = arith.xori %lt3A_4, %lt3A_6 : i1
    %and3A = arith.andi %ne3A_7, %ne3A_3 : i1
    %add3A_8 = arith.addi %rem3A, %select_n3A : i32
    %select_n3A_9 = arith.select %and3A, %add3A_8, %rem3A : i32
    %jit3A_10 = arith.constant 8 : i32
    %div3A = arith.divsi %add3A, %jit3A_10 : i32
    %sign3A = arith.constant 0 : i32
    %sign3A_11 = arith.cmpi sgt, %add3A, %sign3A : i32
    %sign3A_12 = arith.extui %sign3A_11 : i1 to i32
    %sign3A_13 = arith.constant 0 : i32
    %sign3A_14 = arith.cmpi slt, %add3A, %sign3A_13 : i32
    %sign3A_15 = arith.extui %sign3A_14 : i1 to i32
    %sign3A_16 = arith.subi %sign3A_12, %sign3A_15 : i32
    %sign3A_17 = arith.constant 0 : i32
    %sign3A_18 = arith.cmpi sgt, %jit3A_10, %sign3A_17 : i32
    %sign3A_19 = arith.extui %sign3A_18 : i1 to i32
    %sign3A_20 = arith.constant 0 : i32
    %sign3A_21 = arith.cmpi slt, %jit3A_10, %sign3A_20 : i32
    %sign3A_22 = arith.extui %sign3A_21 : i1 to i32
    %sign3A_23 = arith.subi %sign3A_19, %sign3A_22 : i32
    %ne3A_24 = arith.cmpi ne, %sign3A_16, %sign3A_23 : i32
    %rem3A_25 = arith.remsi %add3A, %jit3A_10 : i32
    %ne3A_26 = arith.constant 0 : i32
    %ne3A_27 = arith.cmpi ne, %rem3A_25, %ne3A_26 : i32
    %and3A_28 = arith.andi %ne3A_24, %ne3A_27 : i1
    %sub3A = arith.constant 1 : i32
    %sub3A_29 = arith.subi %div3A, %sub3A : i32
    %select_n3A_30 = arith.select %and3A_28, %sub3A_29, %div3A : i32
    %mul3A_31 = arith.constant 4096 : i32
    %mul3A_32 = arith.muli %select_n3A_30, %mul3A_31 : i32
    %dma_start3A = tpu.memref_slice %arg3[%mul3A_32] : memref<16384xi32, #tpu.memory_space<hbm>> -> memref<4096xi32, #tpu.memory_space<hbm>>
    %dma_start3A_33 = tpu.memref_slice %arg3[%mul3A_32] : memref<16384xi32, #tpu.memory_space<hbm>> -> memref<4096xi32, #tpu.memory_space<hbm>>
    tpu.enqueue_dma source(%dma_start3A_33 : memref<4096xi32, #tpu.memory_space<hbm>>) target(%arg6 : memref<4096xi32, #tpu.memory_space<vmem>>) target_semaphore(%arg8 : memref<!tpu.dma_semaphore, #tpu.memory_space<semaphore_mem>>)
    %mul3A_34 = arith.constant 2 : i32
    %mul3A_35 = arith.muli %mul3A_34, %select_n3A_30 : i32
    %add3A_36 = arith.constant 0 : i32
    %add3A_37 = arith.addi %add3A_36, %mul3A_35 : i32
    %rem3A_38 = arith.constant 8 : i32
    %rem3A_39 = arith.remsi %add3A_37, %rem3A_38 : i32
    %mul3A_40 = arith.constant 2 : i32
    %mul3A_41 = arith.muli %mul3A_40, %select_n3A_30 : i32
    %add3A_42 = arith.constant 1 : i32
    %add3A_43 = arith.addi %add3A_42, %mul3A_41 : i32
    %rem3A_44 = arith.constant 8 : i32
    %rem3A_45 = arith.remsi %add3A_43, %rem3A_44 : i32
    %mul3A_46 = arith.constant 2 : i32
    %mul3A_47 = arith.muli %mul3A_46, %select_n3A_30 : i32
    %add3A_48 = arith.constant 2 : i32
    %add3A_49 = arith.addi %add3A_48, %mul3A_47 : i32
    %rem3A_50 = arith.constant 8 : i32
    %rem3A_51 = arith.remsi %add3A_49, %rem3A_50 : i32
    %mul3A_52 = arith.constant 2 : i32
    %mul3A_53 = arith.muli %mul3A_52, %select_n3A_30 : i32
    %add3A_54 = arith.constant 3 : i32
    %add3A_55 = arith.addi %add3A_54, %mul3A_53 : i32
    %rem3A_56 = arith.constant 8 : i32
    %rem3A_57 = arith.remsi %add3A_55, %rem3A_56 : i32
    %mul3A_58 = arith.constant 2 : i32
    %mul3A_59 = arith.muli %mul3A_58, %select_n3A_30 : i32
    %add3A_60 = arith.constant 4 : i32
    %add3A_61 = arith.addi %add3A_60, %mul3A_59 : i32
    %rem3A_62 = arith.constant 8 : i32
    %rem3A_63 = arith.remsi %add3A_61, %rem3A_62 : i32
    %mul3A_64 = arith.constant 2 : i32
    %mul3A_65 = arith.muli %mul3A_64, %select_n3A_30 : i32
    %add3A_66 = arith.constant 5 : i32
    %add3A_67 = arith.addi %add3A_66, %mul3A_65 : i32
    %rem3A_68 = arith.constant 8 : i32
    %rem3A_69 = arith.remsi %add3A_67, %rem3A_68 : i32
    %mul3A_70 = arith.constant 2 : i32
    %mul3A_71 = arith.muli %mul3A_70, %select_n3A_30 : i32
    %add3A_72 = arith.constant 6 : i32
    %add3A_73 = arith.addi %add3A_72, %mul3A_71 : i32
    %rem3A_74 = arith.constant 8 : i32
    %rem3A_75 = arith.remsi %add3A_73, %rem3A_74 : i32
    %mul3A_76 = arith.constant 2 : i32
    %mul3A_77 = arith.muli %mul3A_76, %select_n3A_30 : i32
    %add3A_78 = arith.constant 7 : i32
    %add3A_79 = arith.addi %add3A_78, %mul3A_77 : i32
    %rem3A_80 = arith.constant 8 : i32
    %rem3A_81 = arith.remsi %add3A_79, %rem3A_80 : i32
    %mul3A_82 = arith.constant 8 : i32
    %mul3A_83 = arith.muli %select_n3A_9, %mul3A_82 : i32
    %add3A_84 = arith.addi %mul3A_83, %rem3A_39 : i32
    %dma_start3A_85 = arith.constant 0 : i32
    %dma_start3A_86 = arith.constant 0 : i32
    %dma_start3A_87 = tpu.memref_slice %arg5[%rem3A_39, %dma_start3A_86] : memref<8x14641xf32, #tpu.memory_space<vmem>> -> memref<1x14641xf32, #tpu.memory_space<vmem>>
    %dma_start3A_88 = arith.constant 0 : i32
    %dma_start3A_89 = tpu.memref_slice %arg2[%add3A_84, %dma_start3A_88] : memref<64x14641xf32, #tpu.memory_space<hbm>> -> memref<1x14641xf32, #tpu.memory_space<hbm>>
    %dma_start3A_90 = tpu.memref_slice %arg9[%dma_start3A_85] : memref<8x!tpu.dma_semaphore, #tpu.memory_space<semaphore_mem>> -> memref<1x!tpu.dma_semaphore, #tpu.memory_space<semaphore_mem>>
    %dma_start3A_91 = tpu.memref_squeeze %dma_start3A_90 : memref<1x!tpu.dma_semaphore, #tpu.memory_space<semaphore_mem>> -> memref<!tpu.dma_semaphore, #tpu.memory_space<semaphore_mem>>
    %dma_start3A_92 = arith.constant 0 : i32
    %dma_start3A_93 = tpu.memref_slice %arg5[%rem3A_39, %dma_start3A_92] : memref<8x14641xf32, #tpu.memory_space<vmem>> -> memref<1x14641xf32, #tpu.memory_space<vmem>>
    %dma_start3A_94 = arith.constant 0 : i32
    %dma_start3A_95 = tpu.memref_slice %arg2[%add3A_84, %dma_start3A_94] : memref<64x14641xf32, #tpu.memory_space<hbm>> -> memref<1x14641xf32, #tpu.memory_space<hbm>>
    tpu.enqueue_dma source(%dma_start3A_95 : memref<1x14641xf32, #tpu.memory_space<hbm>>) target(%dma_start3A_93 : memref<1x14641xf32, #tpu.memory_space<vmem>>) target_semaphore(%dma_start3A_91 : memref<!tpu.dma_semaphore, #tpu.memory_space<semaphore_mem>>)
    %mul3A_96 = arith.constant 8 : i32
    %mul3A_97 = arith.muli %select_n3A_9, %mul3A_96 : i32
    %add3A_98 = arith.addi %mul3A_97, %rem3A_45 : i32
    %dma_start3A_99 = arith.constant 1 : i32
    %dma_start3A_100 = arith.constant 0 : i32
    %dma_start3A_101 = tpu.memref_slice %arg5[%rem3A_45, %dma_start3A_100] : memref<8x14641xf32, #tpu.memory_space<vmem>> -> memref<1x14641xf32, #tpu.memory_space<vmem>>
    %dma_start3A_102 = arith.constant 0 : i32
    %dma_start3A_103 = tpu.memref_slice %arg2[%add3A_98, %dma_start3A_102] : memref<64x14641xf32, #tpu.memory_space<hbm>> -> memref<1x14641xf32, #tpu.memory_space<hbm>>
    %dma_start3A_104 = tpu.memref_slice %arg9[%dma_start3A_99] : memref<8x!tpu.dma_semaphore, #tpu.memory_space<semaphore_mem>> -> memref<1x!tpu.dma_semaphore, #tpu.memory_space<semaphore_mem>>
    %dma_start3A_105 = tpu.memref_squeeze %dma_start3A_104 : memref<1x!tpu.dma_semaphore, #tpu.memory_space<semaphore_mem>> -> memref<!tpu.dma_semaphore, #tpu.memory_space<semaphore_mem>>
    %dma_start3A_106 = arith.constant 0 : i32
    %dma_start3A_107 = tpu.memref_slice %arg5[%rem3A_45, %dma_start3A_106] : memref<8x14641xf32, #tpu.memory_space<vmem>> -> memref<1x14641xf32, #tpu.memory_space<vmem>>
    %dma_start3A_108 = arith.constant 0 : i32
    %dma_start3A_109 = tpu.memref_slice %arg2[%add3A_98, %dma_start3A_108] : memref<64x14641xf32, #tpu.memory_space<hbm>> -> memref<1x14641xf32, #tpu.memory_space<hbm>>
    tpu.enqueue_dma source(%dma_start3A_109 : memref<1x14641xf32, #tpu.memory_space<hbm>>) target(%dma_start3A_107 : memref<1x14641xf32, #tpu.memory_space<vmem>>) target_semaphore(%dma_start3A_105 : memref<!tpu.dma_semaphore, #tpu.memory_space<semaphore_mem>>)
    %mul3A_110 = arith.constant 8 : i32
    %mul3A_111 = arith.muli %select_n3A_9, %mul3A_110 : i32
    %add3A_112 = arith.addi %mul3A_111, %rem3A_51 : i32
    %dma_start3A_113 = arith.constant 2 : i32
    %dma_start3A_114 = arith.constant 0 : i32
    %dma_start3A_115 = tpu.memref_slice %arg5[%rem3A_51, %dma_start3A_114] : memref<8x14641xf32, #tpu.memory_space<vmem>> -> memref<1x14641xf32, #tpu.memory_space<vmem>>
    %dma_start3A_116 = arith.constant 0 : i32
    %dma_start3A_117 = tpu.memref_slice %arg2[%add3A_112, %dma_start3A_116] : memref<64x14641xf32, #tpu.memory_space<hbm>> -> memref<1x14641xf32, #tpu.memory_space<hbm>>
    %dma_start3A_118 = tpu.memref_slice %arg9[%dma_start3A_113] : memref<8x!tpu.dma_semaphore, #tpu.memory_space<semaphore_mem>> -> memref<1x!tpu.dma_semaphore, #tpu.memory_space<semaphore_mem>>
    %dma_start3A_119 = tpu.memref_squeeze %dma_start3A_118 : memref<1x!tpu.dma_semaphore, #tpu.memory_space<semaphore_mem>> -> memref<!tpu.dma_semaphore, #tpu.memory_space<semaphore_mem>>
    %dma_start3A_120 = arith.constant 0 : i32
    %dma_start3A_121 = tpu.memref_slice %arg5[%rem3A_51, %dma_start3A_120] : memref<8x14641xf32, #tpu.memory_space<vmem>> -> memref<1x14641xf32, #tpu.memory_space<vmem>>
    %dma_start3A_122 = arith.constant 0 : i32
    %dma_start3A_123 = tpu.memref_slice %arg2[%add3A_112, %dma_start3A_122] : memref<64x14641xf32, #tpu.memory_space<hbm>> -> memref<1x14641xf32, #tpu.memory_space<hbm>>
    tpu.enqueue_dma source(%dma_start3A_123 : memref<1x14641xf32, #tpu.memory_space<hbm>>) target(%dma_start3A_121 : memref<1x14641xf32, #tpu.memory_space<vmem>>) target_semaphore(%dma_start3A_119 : memref<!tpu.dma_semaphore, #tpu.memory_space<semaphore_mem>>)
    %mul3A_124 = arith.constant 8 : i32
    %mul3A_125 = arith.muli %select_n3A_9, %mul3A_124 : i32
    %add3A_126 = arith.addi %mul3A_125, %rem3A_57 : i32
    %dma_start3A_127 = arith.constant 3 : i32
    %dma_start3A_128 = arith.constant 0 : i32
    %dma_start3A_129 = tpu.memref_slice %arg5[%rem3A_57, %dma_start3A_128] : memref<8x14641xf32, #tpu.memory_space<vmem>> -> memref<1x14641xf32, #tpu.memory_space<vmem>>
    %dma_start3A_130 = arith.constant 0 : i32
    %dma_start3A_131 = tpu.memref_slice %arg2[%add3A_126, %dma_start3A_130] : memref<64x14641xf32, #tpu.memory_space<hbm>> -> memref<1x14641xf32, #tpu.memory_space<hbm>>
    %dma_start3A_132 = tpu.memref_slice %arg9[%dma_start3A_127] : memref<8x!tpu.dma_semaphore, #tpu.memory_space<semaphore_mem>> -> memref<1x!tpu.dma_semaphore, #tpu.memory_space<semaphore_mem>>
    %dma_start3A_133 = tpu.memref_squeeze %dma_start3A_132 : memref<1x!tpu.dma_semaphore, #tpu.memory_space<semaphore_mem>> -> memref<!tpu.dma_semaphore, #tpu.memory_space<semaphore_mem>>
    %dma_start3A_134 = arith.constant 0 : i32
    %dma_start3A_135 = tpu.memref_slice %arg5[%rem3A_57, %dma_start3A_134] : memref<8x14641xf32, #tpu.memory_space<vmem>> -> memref<1x14641xf32, #tpu.memory_space<vmem>>
    %dma_start3A_136 = arith.constant 0 : i32
    %dma_start3A_137 = tpu.memref_slice %arg2[%add3A_126, %dma_start3A_136] : memref<64x14641xf32, #tpu.memory_space<hbm>> -> memref<1x14641xf32, #tpu.memory_space<hbm>>
    tpu.enqueue_dma source(%dma_start3A_137 : memref<1x14641xf32, #tpu.memory_space<hbm>>) target(%dma_start3A_135 : memref<1x14641xf32, #tpu.memory_space<vmem>>) target_semaphore(%dma_start3A_133 : memref<!tpu.dma_semaphore, #tpu.memory_space<semaphore_mem>>)
    %mul3A_138 = arith.constant 8 : i32
    %mul3A_139 = arith.muli %select_n3A_9, %mul3A_138 : i32
    %add3A_140 = arith.addi %mul3A_139, %rem3A_63 : i32
    %dma_start3A_141 = arith.constant 4 : i32
    %dma_start3A_142 = arith.constant 0 : i32
    %dma_start3A_143 = tpu.memref_slice %arg5[%rem3A_63, %dma_start3A_142] : memref<8x14641xf32, #tpu.memory_space<vmem>> -> memref<1x14641xf32, #tpu.memory_space<vmem>>
    %dma_start3A_144 = arith.constant 0 : i32
    %dma_start3A_145 = tpu.memref_slice %arg2[%add3A_140, %dma_start3A_144] : memref<64x14641xf32, #tpu.memory_space<hbm>> -> memref<1x14641xf32, #tpu.memory_space<hbm>>
    %dma_start3A_146 = tpu.memref_slice %arg9[%dma_start3A_141] : memref<8x!tpu.dma_semaphore, #tpu.memory_space<semaphore_mem>> -> memref<1x!tpu.dma_semaphore, #tpu.memory_space<semaphore_mem>>
    %dma_start3A_147 = tpu.memref_squeeze %dma_start3A_146 : memref<1x!tpu.dma_semaphore, #tpu.memory_space<semaphore_mem>> -> memref<!tpu.dma_semaphore, #tpu.memory_space<semaphore_mem>>
    %dma_start3A_148 = arith.constant 0 : i32
    %dma_start3A_149 = tpu.memref_slice %arg5[%rem3A_63, %dma_start3A_148] : memref<8x14641xf32, #tpu.memory_space<vmem>> -> memref<1x14641xf32, #tpu.memory_space<vmem>>
    %dma_start3A_150 = arith.constant 0 : i32
    %dma_start3A_151 = tpu.memref_slice %arg2[%add3A_140, %dma_start3A_150] : memref<64x14641xf32, #tpu.memory_space<hbm>> -> memref<1x14641xf32, #tpu.memory_space<hbm>>
    tpu.enqueue_dma source(%dma_start3A_151 : memref<1x14641xf32, #tpu.memory_space<hbm>>) target(%dma_start3A_149 : memref<1x14641xf32, #tpu.memory_space<vmem>>) target_semaphore(%dma_start3A_147 : memref<!tpu.dma_semaphore, #tpu.memory_space<semaphore_mem>>)
    %mul3A_152 = arith.constant 8 : i32
    %mul3A_153 = arith.muli %select_n3A_9, %mul3A_152 : i32
    %add3A_154 = arith.addi %mul3A_153, %rem3A_69 : i32
    %dma_start3A_155 = arith.constant 5 : i32
    %dma_start3A_156 = arith.constant 0 : i32
    %dma_start3A_157 = tpu.memref_slice %arg5[%rem3A_69, %dma_start3A_156] : memref<8x14641xf32, #tpu.memory_space<vmem>> -> memref<1x14641xf32, #tpu.memory_space<vmem>>
    %dma_start3A_158 = arith.constant 0 : i32
    %dma_start3A_159 = tpu.memref_slice %arg2[%add3A_154, %dma_start3A_158] : memref<64x14641xf32, #tpu.memory_space<hbm>> -> memref<1x14641xf32, #tpu.memory_space<hbm>>
    %dma_start3A_160 = tpu.memref_slice %arg9[%dma_start3A_155] : memref<8x!tpu.dma_semaphore, #tpu.memory_space<semaphore_mem>> -> memref<1x!tpu.dma_semaphore, #tpu.memory_space<semaphore_mem>>
    %dma_start3A_161 = tpu.memref_squeeze %dma_start3A_160 : memref<1x!tpu.dma_semaphore, #tpu.memory_space<semaphore_mem>> -> memref<!tpu.dma_semaphore, #tpu.memory_space<semaphore_mem>>
    %dma_start3A_162 = arith.constant 0 : i32
    %dma_start3A_163 = tpu.memref_slice %arg5[%rem3A_69, %dma_start3A_162] : memref<8x14641xf32, #tpu.memory_space<vmem>> -> memref<1x14641xf32, #tpu.memory_space<vmem>>
    %dma_start3A_164 = arith.constant 0 : i32
    %dma_start3A_165 = tpu.memref_slice %arg2[%add3A_154, %dma_start3A_164] : memref<64x14641xf32, #tpu.memory_space<hbm>> -> memref<1x14641xf32, #tpu.memory_space<hbm>>
    tpu.enqueue_dma source(%dma_start3A_165 : memref<1x14641xf32, #tpu.memory_space<hbm>>) target(%dma_start3A_163 : memref<1x14641xf32, #tpu.memory_space<vmem>>) target_semaphore(%dma_start3A_161 : memref<!tpu.dma_semaphore, #tpu.memory_space<semaphore_mem>>)
    %mul3A_166 = arith.constant 8 : i32
    %mul3A_167 = arith.muli %select_n3A_9, %mul3A_166 : i32
    %add3A_168 = arith.addi %mul3A_167, %rem3A_75 : i32
    %dma_start3A_169 = arith.constant 6 : i32
    %dma_start3A_170 = arith.constant 0 : i32
    %dma_start3A_171 = tpu.memref_slice %arg5[%rem3A_75, %dma_start3A_170] : memref<8x14641xf32, #tpu.memory_space<vmem>> -> memref<1x14641xf32, #tpu.memory_space<vmem>>
    %dma_start3A_172 = arith.constant 0 : i32
    %dma_start3A_173 = tpu.memref_slice %arg2[%add3A_168, %dma_start3A_172] : memref<64x14641xf32, #tpu.memory_space<hbm>> -> memref<1x14641xf32, #tpu.memory_space<hbm>>
    %dma_start3A_174 = tpu.memref_slice %arg9[%dma_start3A_169] : memref<8x!tpu.dma_semaphore, #tpu.memory_space<semaphore_mem>> -> memref<1x!tpu.dma_semaphore, #tpu.memory_space<semaphore_mem>>
    %dma_start3A_175 = tpu.memref_squeeze %dma_start3A_174 : memref<1x!tpu.dma_semaphore, #tpu.memory_space<semaphore_mem>> -> memref<!tpu.dma_semaphore, #tpu.memory_space<semaphore_mem>>
    %dma_start3A_176 = arith.constant 0 : i32
    %dma_start3A_177 = tpu.memref_slice %arg5[%rem3A_75, %dma_start3A_176] : memref<8x14641xf32, #tpu.memory_space<vmem>> -> memref<1x14641xf32, #tpu.memory_space<vmem>>
    %dma_start3A_178 = arith.constant 0 : i32
    %dma_start3A_179 = tpu.memref_slice %arg2[%add3A_168, %dma_start3A_178] : memref<64x14641xf32, #tpu.memory_space<hbm>> -> memref<1x14641xf32, #tpu.memory_space<hbm>>
    tpu.enqueue_dma source(%dma_start3A_179 : memref<1x14641xf32, #tpu.memory_space<hbm>>) target(%dma_start3A_177 : memref<1x14641xf32, #tpu.memory_space<vmem>>) target_semaphore(%dma_start3A_175 : memref<!tpu.dma_semaphore, #tpu.memory_space<semaphore_mem>>)
    %mul3A_180 = arith.constant 8 : i32
    %mul3A_181 = arith.muli %select_n3A_9, %mul3A_180 : i32
    %add3A_182 = arith.addi %mul3A_181, %rem3A_81 : i32
    %dma_start3A_183 = arith.constant 7 : i32
    %dma_start3A_184 = arith.constant 0 : i32
    %dma_start3A_185 = tpu.memref_slice %arg5[%rem3A_81, %dma_start3A_184] : memref<8x14641xf32, #tpu.memory_space<vmem>> -> memref<1x14641xf32, #tpu.memory_space<vmem>>
    %dma_start3A_186 = arith.constant 0 : i32
    %dma_start3A_187 = tpu.memref_slice %arg2[%add3A_182, %dma_start3A_186] : memref<64x14641xf32, #tpu.memory_space<hbm>> -> memref<1x14641xf32, #tpu.memory_space<hbm>>
    %dma_start3A_188 = tpu.memref_slice %arg9[%dma_start3A_183] : memref<8x!tpu.dma_semaphore, #tpu.memory_space<semaphore_mem>> -> memref<1x!tpu.dma_semaphore, #tpu.memory_space<semaphore_mem>>
    %dma_start3A_189 = tpu.memref_squeeze %dma_start3A_188 : memref<1x!tpu.dma_semaphore, #tpu.memory_space<semaphore_mem>> -> memref<!tpu.dma_semaphore, #tpu.memory_space<semaphore_mem>>
    %dma_start3A_190 = arith.constant 0 : i32
    %dma_start3A_191 = tpu.memref_slice %arg5[%rem3A_81, %dma_start3A_190] : memref<8x14641xf32, #tpu.memory_space<vmem>> -> memref<1x14641xf32, #tpu.memory_space<vmem>>
    %dma_start3A_192 = arith.constant 0 : i32
    %dma_start3A_193 = tpu.memref_slice %arg2[%add3A_182, %dma_start3A_192] : memref<64x14641xf32, #tpu.memory_space<hbm>> -> memref<1x14641xf32, #tpu.memory_space<hbm>>
    tpu.enqueue_dma source(%dma_start3A_193 : memref<1x14641xf32, #tpu.memory_space<hbm>>) target(%dma_start3A_191 : memref<1x14641xf32, #tpu.memory_space<vmem>>) target_semaphore(%dma_start3A_189 : memref<!tpu.dma_semaphore, #tpu.memory_space<semaphore_mem>>)
    %dma_wait3A = tpu.memref_slice %arg3[%mul3A_32] : memref<16384xi32, #tpu.memory_space<hbm>> -> memref<4096xi32, #tpu.memory_space<hbm>>
    %dma_wait3A_194 = tpu.memref_slice %arg3[%mul3A_32] : memref<16384xi32, #tpu.memory_space<hbm>> -> memref<4096xi32, #tpu.memory_space<hbm>>
    tpu.wait_dma2 semaphore(%arg8 : memref<!tpu.dma_semaphore, #tpu.memory_space<semaphore_mem>>) src(%dma_wait3A_194 : memref<4096xi32, #tpu.memory_space<hbm>>) dst(%arg6 : memref<4096xi32, #tpu.memory_space<vmem>>)
    %broadcast_in_dim3A = vector.broadcast %rem3A_39 : i32 to vector<16xi32>
    %dma_wait3A_195 = arith.constant 0 : i32
    %dma_wait3A_196 = arith.constant 0 : i32
    %dma_wait3A_197 = tpu.memref_slice %arg5[%rem3A_39, %dma_wait3A_196] : memref<8x14641xf32, #tpu.memory_space<vmem>> -> memref<1x14641xf32, #tpu.memory_space<vmem>>
    %dma_wait3A_198 = arith.constant 0 : i32
    %dma_wait3A_199 = tpu.memref_slice %arg2[%add3A_84, %dma_wait3A_198] : memref<64x14641xf32, #tpu.memory_space<hbm>> -> memref<1x14641xf32, #tpu.memory_space<hbm>>
    %dma_wait3A_200 = tpu.memref_slice %arg9[%dma_wait3A_195] : memref<8x!tpu.dma_semaphore, #tpu.memory_space<semaphore_mem>> -> memref<1x!tpu.dma_semaphore, #tpu.memory_space<semaphore_mem>>
    %dma_wait3A_201 = tpu.memref_squeeze %dma_wait3A_200 : memref<1x!tpu.dma_semaphore, #tpu.memory_space<semaphore_mem>> -> memref<!tpu.dma_semaphore, #tpu.memory_space<semaphore_mem>>
    %dma_wait3A_202 = arith.constant 0 : i32
    %dma_wait3A_203 = tpu.memref_slice %arg5[%rem3A_39, %dma_wait3A_202] : memref<8x14641xf32, #tpu.memory_space<vmem>> -> memref<1x14641xf32, #tpu.memory_space<vmem>>
    %dma_wait3A_204 = arith.constant 0 : i32
    %dma_wait3A_205 = tpu.memref_slice %arg2[%add3A_84, %dma_wait3A_204] : memref<64x14641xf32, #tpu.memory_space<hbm>> -> memref<1x14641xf32, #tpu.memory_space<hbm>>
    tpu.wait_dma2 semaphore(%dma_wait3A_201 : memref<!tpu.dma_semaphore, #tpu.memory_space<semaphore_mem>>) src(%dma_wait3A_205 : memref<1x14641xf32, #tpu.memory_space<hbm>>) dst(%dma_wait3A_203 : memref<1x14641xf32, #tpu.memory_space<vmem>>)
    %parallel_loop3A = arith.constant 0 : i32
    %parallel_loop3A_206 = arith.constant 256 : i32
    %parallel_loop3A_207 = arith.constant 1 : i32
    scf.for %parallel_loop3A_577 = %parallel_loop3A to %parallel_loop3A_206 step %parallel_loop3A_207  : i32 {
      %parallel_loop3A_578 = arith.constant 16 : i32
      %parallel_loop3A_579 = arith.muli %parallel_loop3A_577, %parallel_loop3A_578 : i32
      %parallel_loop3A_580 = arith.index_cast %parallel_loop3A_579 : i32 to index
      %parallel_loop3A_581 = tpu.vector_load %arg6[%parallel_loop3A_580] {strides = array<i32>} : memref<4096xi32, #tpu.memory_space<vmem>>, vector<16xi32>,
      %parallel_loop3A_582 = tpu.vector_load_idx %arg5[%broadcast_in_dim3A, %parallel_loop3A_581] : memref<8x14641xf32, #tpu.memory_space<vmem>>[vector<16xi32>, vector<16xi32>], vector<16xf32>,
      %parallel_loop3A_583 = arith.constant 16 : i32
      %parallel_loop3A_584 = arith.muli %parallel_loop3A_577, %parallel_loop3A_583 : i32
      %parallel_loop3A_585 = arith.constant 0 : i32
      %parallel_loop3A_586 = arith.constant 0 : i32
      %parallel_loop3A_587 = arith.index_cast %parallel_loop3A_585 : i32 to index
      %parallel_loop3A_588 = arith.index_cast %parallel_loop3A_586 : i32 to index
      %parallel_loop3A_589 = arith.index_cast %parallel_loop3A_584 : i32 to index
      %parallel_loop3A_590 = tpu.vector_load %arg7[%parallel_loop3A_587, %parallel_loop3A_588, %parallel_loop3A_589] {strides = array<i32>} : memref<2x1x4096xf32, #tpu.memory_space<vmem>>, vector<16xf32>,
      tpu.vector_store %arg7[%parallel_loop3A_587, %parallel_loop3A_588, %parallel_loop3A_589], %parallel_loop3A_582 {strides = array<i32>} : memref<2x1x4096xf32, #tpu.memory_space<vmem>>, vector<16xf32>,
    } {sc.loop_unroll_factor = 8 : i64, sc.parallel_access}
    %mul3A_208 = arith.constant 8 : i32
    %mul3A_209 = arith.muli %select_n3A_9, %mul3A_208 : i32
    %add3A_210 = arith.addi %mul3A_209, %rem3A_39 : i32
    %mul3A_211 = arith.constant 4096 : i32
    %mul3A_212 = arith.muli %select_n3A_30, %mul3A_211 : i32
    %dma_start3A_213 = arith.constant 0 : i32
    %dma_start3A_214 = arith.constant 0 : i32
    %dma_start3A_215 = arith.constant 0 : i32
    %dma_start3A_216 = tpu.memref_slice %arg7[%dma_start3A_213, %dma_start3A_214, %dma_start3A_215] : memref<2x1x4096xf32, #tpu.memory_space<vmem>> -> memref<1x1x4096xf32, #tpu.memory_space<vmem>>
    %dma_start3A_217 = tpu.memref_squeeze %dma_start3A_216 : memref<1x1x4096xf32, #tpu.memory_space<vmem>> -> memref<1x4096xf32, #tpu.memory_space<vmem>>
    %dma_start3A_218 = tpu.memref_slice %arg4[%add3A_210, %mul3A_212] : memref<64x16384xf32, #tpu.memory_space<hbm>> -> memref<1x4096xf32, #tpu.memory_space<hbm>>
    %dma_start3A_219 = tpu.memref_slice %arg4[%add3A_210, %mul3A_212] : memref<64x16384xf32, #tpu.memory_space<hbm>> -> memref<1x4096xf32, #tpu.memory_space<hbm>>
    %dma_start3A_220 = arith.constant 0 : i32
    %dma_start3A_221 = arith.constant 0 : i32
    %dma_start3A_222 = tpu.memref_slice %arg7[%dma_start3A_213, %dma_start3A_220, %dma_start3A_221] : memref<2x1x4096xf32, #tpu.memory_space<vmem>> -> memref<1x1x4096xf32, #tpu.memory_space<vmem>>
    %dma_start3A_223 = tpu.memref_squeeze %dma_start3A_222 : memref<1x1x4096xf32, #tpu.memory_space<vmem>> -> memref<1x4096xf32, #tpu.memory_space<vmem>>
    tpu.enqueue_dma source(%dma_start3A_223 : memref<1x4096xf32, #tpu.memory_space<vmem>>) target(%dma_start3A_219 : memref<1x4096xf32, #tpu.memory_space<hbm>>) target_semaphore(%arg10 : memref<!tpu.dma_semaphore, #tpu.memory_space<semaphore_mem>>)
    %broadcast_in_dim3A_224 = vector.broadcast %rem3A_45 : i32 to vector<16xi32>
    %dma_wait3A_225 = arith.constant 1 : i32
    %dma_wait3A_226 = arith.constant 0 : i32
    %dma_wait3A_227 = tpu.memref_slice %arg5[%rem3A_45, %dma_wait3A_226] : memref<8x14641xf32, #tpu.memory_space<vmem>> -> memref<1x14641xf32, #tpu.memory_space<vmem>>
    %dma_wait3A_228 = arith.constant 0 : i32
    %dma_wait3A_229 = tpu.memref_slice %arg2[%add3A_98, %dma_wait3A_228] : memref<64x14641xf32, #tpu.memory_space<hbm>> -> memref<1x14641xf32, #tpu.memory_space<hbm>>
    %dma_wait3A_230 = tpu.memref_slice %arg9[%dma_wait3A_225] : memref<8x!tpu.dma_semaphore, #tpu.memory_space<semaphore_mem>> -> memref<1x!tpu.dma_semaphore, #tpu.memory_space<semaphore_mem>>
    %dma_wait3A_231 = tpu.memref_squeeze %dma_wait3A_230 : memref<1x!tpu.dma_semaphore, #tpu.memory_space<semaphore_mem>> -> memref<!tpu.dma_semaphore, #tpu.memory_space<semaphore_mem>>
    %dma_wait3A_232 = arith.constant 0 : i32
    %dma_wait3A_233 = tpu.memref_slice %arg5[%rem3A_45, %dma_wait3A_232] : memref<8x14641xf32, #tpu.memory_space<vmem>> -> memref<1x14641xf32, #tpu.memory_space<vmem>>
    %dma_wait3A_234 = arith.constant 0 : i32
    %dma_wait3A_235 = tpu.memref_slice %arg2[%add3A_98, %dma_wait3A_234] : memref<64x14641xf32, #tpu.memory_space<hbm>> -> memref<1x14641xf32, #tpu.memory_space<hbm>>
    tpu.wait_dma2 semaphore(%dma_wait3A_231 : memref<!tpu.dma_semaphore, #tpu.memory_space<semaphore_mem>>) src(%dma_wait3A_235 : memref<1x14641xf32, #tpu.memory_space<hbm>>) dst(%dma_wait3A_233 : memref<1x14641xf32, #tpu.memory_space<vmem>>)
    %parallel_loop3A_236 = arith.constant 0 : i32
    %parallel_loop3A_237 = arith.constant 256 : i32
    %parallel_loop3A_238 = arith.constant 1 : i32
    scf.for %parallel_loop3A_577 = %parallel_loop3A_236 to %parallel_loop3A_237 step %parallel_loop3A_238  : i32 {
      %parallel_loop3A_578 = arith.constant 16 : i32
      %parallel_loop3A_579 = arith.muli %parallel_loop3A_577, %parallel_loop3A_578 : i32
      %parallel_loop3A_580 = arith.index_cast %parallel_loop3A_579 : i32 to index
      %parallel_loop3A_581 = tpu.vector_load %arg6[%parallel_loop3A_580] {strides = array<i32>} : memref<4096xi32, #tpu.memory_space<vmem>>, vector<16xi32>,
      %parallel_loop3A_582 = tpu.vector_load_idx %arg5[%broadcast_in_dim3A_224, %parallel_loop3A_581] : memref<8x14641xf32, #tpu.memory_space<vmem>>[vector<16xi32>, vector<16xi32>], vector<16xf32>,
      %parallel_loop3A_583 = arith.constant 16 : i32
      %parallel_loop3A_584 = arith.muli %parallel_loop3A_577, %parallel_loop3A_583 : i32
      %parallel_loop3A_585 = arith.constant 1 : i32
      %parallel_loop3A_586 = arith.constant 0 : i32
      %parallel_loop3A_587 = arith.index_cast %parallel_loop3A_585 : i32 to index
      %parallel_loop3A_588 = arith.index_cast %parallel_loop3A_586 : i32 to index
      %parallel_loop3A_589 = arith.index_cast %parallel_loop3A_584 : i32 to index
      %parallel_loop3A_590 = tpu.vector_load %arg7[%parallel_loop3A_587, %parallel_loop3A_588, %parallel_loop3A_589] {strides = array<i32>} : memref<2x1x4096xf32, #tpu.memory_space<vmem>>, vector<16xf32>,
      tpu.vector_store %arg7[%parallel_loop3A_587, %parallel_loop3A_588, %parallel_loop3A_589], %parallel_loop3A_582 {strides = array<i32>} : memref<2x1x4096xf32, #tpu.memory_space<vmem>>, vector<16xf32>,
    } {sc.loop_unroll_factor = 8 : i64, sc.parallel_access}
    %mul3A_239 = arith.constant 8 : i32
    %mul3A_240 = arith.muli %select_n3A_9, %mul3A_239 : i32
    %add3A_241 = arith.addi %mul3A_240, %rem3A_45 : i32
    %mul3A_242 = arith.constant 4096 : i32
    %mul3A_243 = arith.muli %select_n3A_30, %mul3A_242 : i32
    %dma_start3A_244 = arith.constant 1 : i32
    %dma_start3A_245 = arith.constant 0 : i32
    %dma_start3A_246 = arith.constant 0 : i32
    %dma_start3A_247 = tpu.memref_slice %arg7[%dma_start3A_244, %dma_start3A_245, %dma_start3A_246] : memref<2x1x4096xf32, #tpu.memory_space<vmem>> -> memref<1x1x4096xf32, #tpu.memory_space<vmem>>
    %dma_start3A_248 = tpu.memref_squeeze %dma_start3A_247 : memref<1x1x4096xf32, #tpu.memory_space<vmem>> -> memref<1x4096xf32, #tpu.memory_space<vmem>>
    %dma_start3A_249 = tpu.memref_slice %arg4[%add3A_241, %mul3A_243] : memref<64x16384xf32, #tpu.memory_space<hbm>> -> memref<1x4096xf32, #tpu.memory_space<hbm>>
    %dma_start3A_250 = tpu.memref_slice %arg4[%add3A_241, %mul3A_243] : memref<64x16384xf32, #tpu.memory_space<hbm>> -> memref<1x4096xf32, #tpu.memory_space<hbm>>
    %dma_start3A_251 = arith.constant 0 : i32
    %dma_start3A_252 = arith.constant 0 : i32
    %dma_start3A_253 = tpu.memref_slice %arg7[%dma_start3A_244, %dma_start3A_251, %dma_start3A_252] : memref<2x1x4096xf32, #tpu.memory_space<vmem>> -> memref<1x1x4096xf32, #tpu.memory_space<vmem>>
    %dma_start3A_254 = tpu.memref_squeeze %dma_start3A_253 : memref<1x1x4096xf32, #tpu.memory_space<vmem>> -> memref<1x4096xf32, #tpu.memory_space<vmem>>
    tpu.enqueue_dma source(%dma_start3A_254 : memref<1x4096xf32, #tpu.memory_space<vmem>>) target(%dma_start3A_250 : memref<1x4096xf32, #tpu.memory_space<hbm>>) target_semaphore(%arg10 : memref<!tpu.dma_semaphore, #tpu.memory_space<semaphore_mem>>)
    %broadcast_in_dim3A_255 = vector.broadcast %rem3A_51 : i32 to vector<16xi32>
    %dma_wait3A_256 = arith.constant 2 : i32
    %dma_wait3A_257 = arith.constant 0 : i32
    %dma_wait3A_258 = tpu.memref_slice %arg5[%rem3A_51, %dma_wait3A_257] : memref<8x14641xf32, #tpu.memory_space<vmem>> -> memref<1x14641xf32, #tpu.memory_space<vmem>>
    %dma_wait3A_259 = arith.constant 0 : i32
    %dma_wait3A_260 = tpu.memref_slice %arg2[%add3A_112, %dma_wait3A_259] : memref<64x14641xf32, #tpu.memory_space<hbm>> -> memref<1x14641xf32, #tpu.memory_space<hbm>>
    %dma_wait3A_261 = tpu.memref_slice %arg9[%dma_wait3A_256] : memref<8x!tpu.dma_semaphore, #tpu.memory_space<semaphore_mem>> -> memref<1x!tpu.dma_semaphore, #tpu.memory_space<semaphore_mem>>
    %dma_wait3A_262 = tpu.memref_squeeze %dma_wait3A_261 : memref<1x!tpu.dma_semaphore, #tpu.memory_space<semaphore_mem>> -> memref<!tpu.dma_semaphore, #tpu.memory_space<semaphore_mem>>
    %dma_wait3A_263 = arith.constant 0 : i32
    %dma_wait3A_264 = tpu.memref_slice %arg5[%rem3A_51, %dma_wait3A_263] : memref<8x14641xf32, #tpu.memory_space<vmem>> -> memref<1x14641xf32, #tpu.memory_space<vmem>>
    %dma_wait3A_265 = arith.constant 0 : i32
    %dma_wait3A_266 = tpu.memref_slice %arg2[%add3A_112, %dma_wait3A_265] : memref<64x14641xf32, #tpu.memory_space<hbm>> -> memref<1x14641xf32, #tpu.memory_space<hbm>>
    tpu.wait_dma2 semaphore(%dma_wait3A_262 : memref<!tpu.dma_semaphore, #tpu.memory_space<semaphore_mem>>) src(%dma_wait3A_266 : memref<1x14641xf32, #tpu.memory_space<hbm>>) dst(%dma_wait3A_264 : memref<1x14641xf32, #tpu.memory_space<vmem>>)
    %mul3A_267 = arith.constant 8 : i32
    %mul3A_268 = arith.muli %select_n3A_9, %mul3A_267 : i32
    %add3A_269 = arith.constant 0 : i32
    %add3A_270 = arith.addi %mul3A_268, %add3A_269 : i32
    %mul3A_271 = arith.constant 4096 : i32
    %mul3A_272 = arith.muli %select_n3A_30, %mul3A_271 : i32
    %dma_wait3A_273 = arith.constant 0 : i32
    %dma_wait3A_274 = arith.constant 0 : i32
    %dma_wait3A_275 = arith.constant 0 : i32
    %dma_wait3A_276 = tpu.memref_slice %arg7[%dma_wait3A_273, %dma_wait3A_274, %dma_wait3A_275] : memref<2x1x4096xf32, #tpu.memory_space<vmem>> -> memref<1x1x4096xf32, #tpu.memory_space<vmem>>
    %dma_wait3A_277 = tpu.memref_squeeze %dma_wait3A_276 : memref<1x1x4096xf32, #tpu.memory_space<vmem>> -> memref<1x4096xf32, #tpu.memory_space<vmem>>
    %dma_wait3A_278 = tpu.memref_slice %arg4[%add3A_270, %mul3A_272] : memref<64x16384xf32, #tpu.memory_space<hbm>> -> memref<1x4096xf32, #tpu.memory_space<hbm>>
    %dma_wait3A_279 = tpu.memref_slice %arg4[%add3A_270, %mul3A_272] : memref<64x16384xf32, #tpu.memory_space<hbm>> -> memref<1x4096xf32, #tpu.memory_space<hbm>>
    %dma_wait3A_280 = arith.constant 0 : i32
    %dma_wait3A_281 = arith.constant 0 : i32
    %dma_wait3A_282 = tpu.memref_slice %arg7[%dma_wait3A_273, %dma_wait3A_280, %dma_wait3A_281] : memref<2x1x4096xf32, #tpu.memory_space<vmem>> -> memref<1x1x4096xf32, #tpu.memory_space<vmem>>
    %dma_wait3A_283 = tpu.memref_squeeze %dma_wait3A_282 : memref<1x1x4096xf32, #tpu.memory_space<vmem>> -> memref<1x4096xf32, #tpu.memory_space<vmem>>
    tpu.wait_dma2 semaphore(%arg10 : memref<!tpu.dma_semaphore, #tpu.memory_space<semaphore_mem>>) src(%dma_wait3A_283 : memref<1x4096xf32, #tpu.memory_space<vmem>>) dst(%dma_wait3A_279 : memref<1x4096xf32, #tpu.memory_space<hbm>>)
    %parallel_loop3A_284 = arith.constant 0 : i32
    %parallel_loop3A_285 = arith.constant 256 : i32
    %parallel_loop3A_286 = arith.constant 1 : i32
    scf.for %parallel_loop3A_577 = %parallel_loop3A_284 to %parallel_loop3A_285 step %parallel_loop3A_286  : i32 {
      %parallel_loop3A_578 = arith.constant 16 : i32
      %parallel_loop3A_579 = arith.muli %parallel_loop3A_577, %parallel_loop3A_578 : i32
      %parallel_loop3A_580 = arith.index_cast %parallel_loop3A_579 : i32 to index
      %parallel_loop3A_581 = tpu.vector_load %arg6[%parallel_loop3A_580] {strides = array<i32>} : memref<4096xi32, #tpu.memory_space<vmem>>, vector<16xi32>,
      %parallel_loop3A_582 = tpu.vector_load_idx %arg5[%broadcast_in_dim3A_255, %parallel_loop3A_581] : memref<8x14641xf32, #tpu.memory_space<vmem>>[vector<16xi32>, vector<16xi32>], vector<16xf32>,
      %parallel_loop3A_583 = arith.constant 16 : i32
      %parallel_loop3A_584 = arith.muli %parallel_loop3A_577, %parallel_loop3A_583 : i32
      %parallel_loop3A_585 = arith.constant 0 : i32
      %parallel_loop3A_586 = arith.constant 0 : i32
      %parallel_loop3A_587 = arith.index_cast %parallel_loop3A_585 : i32 to index
      %parallel_loop3A_588 = arith.index_cast %parallel_loop3A_586 : i32 to index
      %parallel_loop3A_589 = arith.index_cast %parallel_loop3A_584 : i32 to index
      %parallel_loop3A_590 = tpu.vector_load %arg7[%parallel_loop3A_587, %parallel_loop3A_588, %parallel_loop3A_589] {strides = array<i32>} : memref<2x1x4096xf32, #tpu.memory_space<vmem>>, vector<16xf32>,
      tpu.vector_store %arg7[%parallel_loop3A_587, %parallel_loop3A_588, %parallel_loop3A_589], %parallel_loop3A_582 {strides = array<i32>} : memref<2x1x4096xf32, #tpu.memory_space<vmem>>, vector<16xf32>,
    } {sc.loop_unroll_factor = 8 : i64, sc.parallel_access}
    %mul3A_287 = arith.constant 8 : i32
    %mul3A_288 = arith.muli %select_n3A_9, %mul3A_287 : i32
    %add3A_289 = arith.addi %mul3A_288, %rem3A_51 : i32
    %mul3A_290 = arith.constant 4096 : i32
    %mul3A_291 = arith.muli %select_n3A_30, %mul3A_290 : i32
    %dma_start3A_292 = arith.constant 0 : i32
    %dma_start3A_293 = arith.constant 0 : i32
    %dma_start3A_294 = arith.constant 0 : i32
    %dma_start3A_295 = tpu.memref_slice %arg7[%dma_start3A_292, %dma_start3A_293, %dma_start3A_294] : memref<2x1x4096xf32, #tpu.memory_space<vmem>> -> memref<1x1x4096xf32, #tpu.memory_space<vmem>>
    %dma_start3A_296 = tpu.memref_squeeze %dma_start3A_295 : memref<1x1x4096xf32, #tpu.memory_space<vmem>> -> memref<1x4096xf32, #tpu.memory_space<vmem>>
    %dma_start3A_297 = tpu.memref_slice %arg4[%add3A_289, %mul3A_291] : memref<64x16384xf32, #tpu.memory_space<hbm>> -> memref<1x4096xf32, #tpu.memory_space<hbm>>
    %dma_start3A_298 = tpu.memref_slice %arg4[%add3A_289, %mul3A_291] : memref<64x16384xf32, #tpu.memory_space<hbm>> -> memref<1x4096xf32, #tpu.memory_space<hbm>>
    %dma_start3A_299 = arith.constant 0 : i32
    %dma_start3A_300 = arith.constant 0 : i32
    %dma_start3A_301 = tpu.memref_slice %arg7[%dma_start3A_292, %dma_start3A_299, %dma_start3A_300] : memref<2x1x4096xf32, #tpu.memory_space<vmem>> -> memref<1x1x4096xf32, #tpu.memory_space<vmem>>
    %dma_start3A_302 = tpu.memref_squeeze %dma_start3A_301 : memref<1x1x4096xf32, #tpu.memory_space<vmem>> -> memref<1x4096xf32, #tpu.memory_space<vmem>>
    tpu.enqueue_dma source(%dma_start3A_302 : memref<1x4096xf32, #tpu.memory_space<vmem>>) target(%dma_start3A_298 : memref<1x4096xf32, #tpu.memory_space<hbm>>) target_semaphore(%arg10 : memref<!tpu.dma_semaphore, #tpu.memory_space<semaphore_mem>>)
    %broadcast_in_dim3A_303 = vector.broadcast %rem3A_57 : i32 to vector<16xi32>
    %dma_wait3A_304 = arith.constant 3 : i32
    %dma_wait3A_305 = arith.constant 0 : i32
    %dma_wait3A_306 = tpu.memref_slice %arg5[%rem3A_57, %dma_wait3A_305] : memref<8x14641xf32, #tpu.memory_space<vmem>> -> memref<1x14641xf32, #tpu.memory_space<vmem>>
    %dma_wait3A_307 = arith.constant 0 : i32
    %dma_wait3A_308 = tpu.memref_slice %arg2[%add3A_126, %dma_wait3A_307] : memref<64x14641xf32, #tpu.memory_space<hbm>> -> memref<1x14641xf32, #tpu.memory_space<hbm>>
    %dma_wait3A_309 = tpu.memref_slice %arg9[%dma_wait3A_304] : memref<8x!tpu.dma_semaphore, #tpu.memory_space<semaphore_mem>> -> memref<1x!tpu.dma_semaphore, #tpu.memory_space<semaphore_mem>>
    %dma_wait3A_310 = tpu.memref_squeeze %dma_wait3A_309 : memref<1x!tpu.dma_semaphore, #tpu.memory_space<semaphore_mem>> -> memref<!tpu.dma_semaphore, #tpu.memory_space<semaphore_mem>>
    %dma_wait3A_311 = arith.constant 0 : i32
    %dma_wait3A_312 = tpu.memref_slice %arg5[%rem3A_57, %dma_wait3A_311] : memref<8x14641xf32, #tpu.memory_space<vmem>> -> memref<1x14641xf32, #tpu.memory_space<vmem>>
    %dma_wait3A_313 = arith.constant 0 : i32
    %dma_wait3A_314 = tpu.memref_slice %arg2[%add3A_126, %dma_wait3A_313] : memref<64x14641xf32, #tpu.memory_space<hbm>> -> memref<1x14641xf32, #tpu.memory_space<hbm>>
    tpu.wait_dma2 semaphore(%dma_wait3A_310 : memref<!tpu.dma_semaphore, #tpu.memory_space<semaphore_mem>>) src(%dma_wait3A_314 : memref<1x14641xf32, #tpu.memory_space<hbm>>) dst(%dma_wait3A_312 : memref<1x14641xf32, #tpu.memory_space<vmem>>)
    %mul3A_315 = arith.constant 8 : i32
    %mul3A_316 = arith.muli %select_n3A_9, %mul3A_315 : i32
    %add3A_317 = arith.constant 1 : i32
    %add3A_318 = arith.addi %mul3A_316, %add3A_317 : i32
    %mul3A_319 = arith.constant 4096 : i32
    %mul3A_320 = arith.muli %select_n3A_30, %mul3A_319 : i32
    %dma_wait3A_321 = arith.constant 1 : i32
    %dma_wait3A_322 = arith.constant 0 : i32
    %dma_wait3A_323 = arith.constant 0 : i32
    %dma_wait3A_324 = tpu.memref_slice %arg7[%dma_wait3A_321, %dma_wait3A_322, %dma_wait3A_323] : memref<2x1x4096xf32, #tpu.memory_space<vmem>> -> memref<1x1x4096xf32, #tpu.memory_space<vmem>>
    %dma_wait3A_325 = tpu.memref_squeeze %dma_wait3A_324 : memref<1x1x4096xf32, #tpu.memory_space<vmem>> -> memref<1x4096xf32, #tpu.memory_space<vmem>>
    %dma_wait3A_326 = tpu.memref_slice %arg4[%add3A_318, %mul3A_320] : memref<64x16384xf32, #tpu.memory_space<hbm>> -> memref<1x4096xf32, #tpu.memory_space<hbm>>
    %dma_wait3A_327 = tpu.memref_slice %arg4[%add3A_318, %mul3A_320] : memref<64x16384xf32, #tpu.memory_space<hbm>> -> memref<1x4096xf32, #tpu.memory_space<hbm>>
    %dma_wait3A_328 = arith.constant 0 : i32
    %dma_wait3A_329 = arith.constant 0 : i32
    %dma_wait3A_330 = tpu.memref_slice %arg7[%dma_wait3A_321, %dma_wait3A_328, %dma_wait3A_329] : memref<2x1x4096xf32, #tpu.memory_space<vmem>> -> memref<1x1x4096xf32, #tpu.memory_space<vmem>>
    %dma_wait3A_331 = tpu.memref_squeeze %dma_wait3A_330 : memref<1x1x4096xf32, #tpu.memory_space<vmem>> -> memref<1x4096xf32, #tpu.memory_space<vmem>>
    tpu.wait_dma2 semaphore(%arg10 : memref<!tpu.dma_semaphore, #tpu.memory_space<semaphore_mem>>) src(%dma_wait3A_331 : memref<1x4096xf32, #tpu.memory_space<vmem>>) dst(%dma_wait3A_327 : memref<1x4096xf32, #tpu.memory_space<hbm>>)
    %parallel_loop3A_332 = arith.constant 0 : i32
    %parallel_loop3A_333 = arith.constant 256 : i32
    %parallel_loop3A_334 = arith.constant 1 : i32
    scf.for %parallel_loop3A_577 = %parallel_loop3A_332 to %parallel_loop3A_333 step %parallel_loop3A_334  : i32 {
      %parallel_loop3A_578 = arith.constant 16 : i32
      %parallel_loop3A_579 = arith.muli %parallel_loop3A_577, %parallel_loop3A_578 : i32
      %parallel_loop3A_580 = arith.index_cast %parallel_loop3A_579 : i32 to index
      %parallel_loop3A_581 = tpu.vector_load %arg6[%parallel_loop3A_580] {strides = array<i32>} : memref<4096xi32, #tpu.memory_space<vmem>>, vector<16xi32>,
      %parallel_loop3A_582 = tpu.vector_load_idx %arg5[%broadcast_in_dim3A_303, %parallel_loop3A_581] : memref<8x14641xf32, #tpu.memory_space<vmem>>[vector<16xi32>, vector<16xi32>], vector<16xf32>,
      %parallel_loop3A_583 = arith.constant 16 : i32
      %parallel_loop3A_584 = arith.muli %parallel_loop3A_577, %parallel_loop3A_583 : i32
      %parallel_loop3A_585 = arith.constant 1 : i32
      %parallel_loop3A_586 = arith.constant 0 : i32
      %parallel_loop3A_587 = arith.index_cast %parallel_loop3A_585 : i32 to index
      %parallel_loop3A_588 = arith.index_cast %parallel_loop3A_586 : i32 to index
      %parallel_loop3A_589 = arith.index_cast %parallel_loop3A_584 : i32 to index
      %parallel_loop3A_590 = tpu.vector_load %arg7[%parallel_loop3A_587, %parallel_loop3A_588, %parallel_loop3A_589] {strides = array<i32>} : memref<2x1x4096xf32, #tpu.memory_space<vmem>>, vector<16xf32>,
      tpu.vector_store %arg7[%parallel_loop3A_587, %parallel_loop3A_588, %parallel_loop3A_589], %parallel_loop3A_582 {strides = array<i32>} : memref<2x1x4096xf32, #tpu.memory_space<vmem>>, vector<16xf32>,
    } {sc.loop_unroll_factor = 8 : i64, sc.parallel_access}
    %mul3A_335 = arith.constant 8 : i32
    %mul3A_336 = arith.muli %select_n3A_9, %mul3A_335 : i32
    %add3A_337 = arith.addi %mul3A_336, %rem3A_57 : i32
    %mul3A_338 = arith.constant 4096 : i32
    %mul3A_339 = arith.muli %select_n3A_30, %mul3A_338 : i32
    %dma_start3A_340 = arith.constant 1 : i32
    %dma_start3A_341 = arith.constant 0 : i32
    %dma_start3A_342 = arith.constant 0 : i32
    %dma_start3A_343 = tpu.memref_slice %arg7[%dma_start3A_340, %dma_start3A_341, %dma_start3A_342] : memref<2x1x4096xf32, #tpu.memory_space<vmem>> -> memref<1x1x4096xf32, #tpu.memory_space<vmem>>
    %dma_start3A_344 = tpu.memref_squeeze %dma_start3A_343 : memref<1x1x4096xf32, #tpu.memory_space<vmem>> -> memref<1x4096xf32, #tpu.memory_space<vmem>>
    %dma_start3A_345 = tpu.memref_slice %arg4[%add3A_337, %mul3A_339] : memref<64x16384xf32, #tpu.memory_space<hbm>> -> memref<1x4096xf32, #tpu.memory_space<hbm>>
    %dma_start3A_346 = tpu.memref_slice %arg4[%add3A_337, %mul3A_339] : memref<64x16384xf32, #tpu.memory_space<hbm>> -> memref<1x4096xf32, #tpu.memory_space<hbm>>
    %dma_start3A_347 = arith.constant 0 : i32
    %dma_start3A_348 = arith.constant 0 : i32
    %dma_start3A_349 = tpu.memref_slice %arg7[%dma_start3A_340, %dma_start3A_347, %dma_start3A_348] : memref<2x1x4096xf32, #tpu.memory_space<vmem>> -> memref<1x1x4096xf32, #tpu.memory_space<vmem>>
    %dma_start3A_350 = tpu.memref_squeeze %dma_start3A_349 : memref<1x1x4096xf32, #tpu.memory_space<vmem>> -> memref<1x4096xf32, #tpu.memory_space<vmem>>
    tpu.enqueue_dma source(%dma_start3A_350 : memref<1x4096xf32, #tpu.memory_space<vmem>>) target(%dma_start3A_346 : memref<1x4096xf32, #tpu.memory_space<hbm>>) target_semaphore(%arg10 : memref<!tpu.dma_semaphore, #tpu.memory_space<semaphore_mem>>)
    %broadcast_in_dim3A_351 = vector.broadcast %rem3A_63 : i32 to vector<16xi32>
    %dma_wait3A_352 = arith.constant 4 : i32
    %dma_wait3A_353 = arith.constant 0 : i32
    %dma_wait3A_354 = tpu.memref_slice %arg5[%rem3A_63, %dma_wait3A_353] : memref<8x14641xf32, #tpu.memory_space<vmem>> -> memref<1x14641xf32, #tpu.memory_space<vmem>>
    %dma_wait3A_355 = arith.constant 0 : i32
    %dma_wait3A_356 = tpu.memref_slice %arg2[%add3A_140, %dma_wait3A_355] : memref<64x14641xf32, #tpu.memory_space<hbm>> -> memref<1x14641xf32, #tpu.memory_space<hbm>>
    %dma_wait3A_357 = tpu.memref_slice %arg9[%dma_wait3A_352] : memref<8x!tpu.dma_semaphore, #tpu.memory_space<semaphore_mem>> -> memref<1x!tpu.dma_semaphore, #tpu.memory_space<semaphore_mem>>
    %dma_wait3A_358 = tpu.memref_squeeze %dma_wait3A_357 : memref<1x!tpu.dma_semaphore, #tpu.memory_space<semaphore_mem>> -> memref<!tpu.dma_semaphore, #tpu.memory_space<semaphore_mem>>
    %dma_wait3A_359 = arith.constant 0 : i32
    %dma_wait3A_360 = tpu.memref_slice %arg5[%rem3A_63, %dma_wait3A_359] : memref<8x14641xf32, #tpu.memory_space<vmem>> -> memref<1x14641xf32, #tpu.memory_space<vmem>>
    %dma_wait3A_361 = arith.constant 0 : i32
    %dma_wait3A_362 = tpu.memref_slice %arg2[%add3A_140, %dma_wait3A_361] : memref<64x14641xf32, #tpu.memory_space<hbm>> -> memref<1x14641xf32, #tpu.memory_space<hbm>>
    tpu.wait_dma2 semaphore(%dma_wait3A_358 : memref<!tpu.dma_semaphore, #tpu.memory_space<semaphore_mem>>) src(%dma_wait3A_362 : memref<1x14641xf32, #tpu.memory_space<hbm>>) dst(%dma_wait3A_360 : memref<1x14641xf32, #tpu.memory_space<vmem>>)
    %mul3A_363 = arith.constant 8 : i32
    %mul3A_364 = arith.muli %select_n3A_9, %mul3A_363 : i32
    %add3A_365 = arith.constant 0 : i32
    %add3A_366 = arith.addi %mul3A_364, %add3A_365 : i32
    %mul3A_367 = arith.constant 4096 : i32
    %mul3A_368 = arith.muli %select_n3A_30, %mul3A_367 : i32
    %dma_wait3A_369 = arith.constant 0 : i32
    %dma_wait3A_370 = arith.constant 0 : i32
    %dma_wait3A_371 = arith.constant 0 : i32
    %dma_wait3A_372 = tpu.memref_slice %arg7[%dma_wait3A_369, %dma_wait3A_370, %dma_wait3A_371] : memref<2x1x4096xf32, #tpu.memory_space<vmem>> -> memref<1x1x4096xf32, #tpu.memory_space<vmem>>
    %dma_wait3A_373 = tpu.memref_squeeze %dma_wait3A_372 : memref<1x1x4096xf32, #tpu.memory_space<vmem>> -> memref<1x4096xf32, #tpu.memory_space<vmem>>
    %dma_wait3A_374 = tpu.memref_slice %arg4[%add3A_366, %mul3A_368] : memref<64x16384xf32, #tpu.memory_space<hbm>> -> memref<1x4096xf32, #tpu.memory_space<hbm>>
    %dma_wait3A_375 = tpu.memref_slice %arg4[%add3A_366, %mul3A_368] : memref<64x16384xf32, #tpu.memory_space<hbm>> -> memref<1x4096xf32, #tpu.memory_space<hbm>>
    %dma_wait3A_376 = arith.constant 0 : i32
    %dma_wait3A_377 = arith.constant 0 : i32
    %dma_wait3A_378 = tpu.memref_slice %arg7[%dma_wait3A_369, %dma_wait3A_376, %dma_wait3A_377] : memref<2x1x4096xf32, #tpu.memory_space<vmem>> -> memref<1x1x4096xf32, #tpu.memory_space<vmem>>
    %dma_wait3A_379 = tpu.memref_squeeze %dma_wait3A_378 : memref<1x1x4096xf32, #tpu.memory_space<vmem>> -> memref<1x4096xf32, #tpu.memory_space<vmem>>
    tpu.wait_dma2 semaphore(%arg10 : memref<!tpu.dma_semaphore, #tpu.memory_space<semaphore_mem>>) src(%dma_wait3A_379 : memref<1x4096xf32, #tpu.memory_space<vmem>>) dst(%dma_wait3A_375 : memref<1x4096xf32, #tpu.memory_space<hbm>>)
    %parallel_loop3A_380 = arith.constant 0 : i32
    %parallel_loop3A_381 = arith.constant 256 : i32
    %parallel_loop3A_382 = arith.constant 1 : i32
    scf.for %parallel_loop3A_577 = %parallel_loop3A_380 to %parallel_loop3A_381 step %parallel_loop3A_382  : i32 {
      %parallel_loop3A_578 = arith.constant 16 : i32
      %parallel_loop3A_579 = arith.muli %parallel_loop3A_577, %parallel_loop3A_578 : i32
      %parallel_loop3A_580 = arith.index_cast %parallel_loop3A_579 : i32 to index
      %parallel_loop3A_581 = tpu.vector_load %arg6[%parallel_loop3A_580] {strides = array<i32>} : memref<4096xi32, #tpu.memory_space<vmem>>, vector<16xi32>,
      %parallel_loop3A_582 = tpu.vector_load_idx %arg5[%broadcast_in_dim3A_351, %parallel_loop3A_581] : memref<8x14641xf32, #tpu.memory_space<vmem>>[vector<16xi32>, vector<16xi32>], vector<16xf32>,
      %parallel_loop3A_583 = arith.constant 16 : i32
      %parallel_loop3A_584 = arith.muli %parallel_loop3A_577, %parallel_loop3A_583 : i32
      %parallel_loop3A_585 = arith.constant 0 : i32
      %parallel_loop3A_586 = arith.constant 0 : i32
      %parallel_loop3A_587 = arith.index_cast %parallel_loop3A_585 : i32 to index
      %parallel_loop3A_588 = arith.index_cast %parallel_loop3A_586 : i32 to index
      %parallel_loop3A_589 = arith.index_cast %parallel_loop3A_584 : i32 to index
      %parallel_loop3A_590 = tpu.vector_load %arg7[%parallel_loop3A_587, %parallel_loop3A_588, %parallel_loop3A_589] {strides = array<i32>} : memref<2x1x4096xf32, #tpu.memory_space<vmem>>, vector<16xf32>,
      tpu.vector_store %arg7[%parallel_loop3A_587, %parallel_loop3A_588, %parallel_loop3A_589], %parallel_loop3A_582 {strides = array<i32>} : memref<2x1x4096xf32, #tpu.memory_space<vmem>>, vector<16xf32>,
    } {sc.loop_unroll_factor = 8 : i64, sc.parallel_access}
    %mul3A_383 = arith.constant 8 : i32
    %mul3A_384 = arith.muli %select_n3A_9, %mul3A_383 : i32
    %add3A_385 = arith.addi %mul3A_384, %rem3A_63 : i32
    %mul3A_386 = arith.constant 4096 : i32
    %mul3A_387 = arith.muli %select_n3A_30, %mul3A_386 : i32
    %dma_start3A_388 = arith.constant 0 : i32
    %dma_start3A_389 = arith.constant 0 : i32
    %dma_start3A_390 = arith.constant 0 : i32
    %dma_start3A_391 = tpu.memref_slice %arg7[%dma_start3A_388, %dma_start3A_389, %dma_start3A_390] : memref<2x1x4096xf32, #tpu.memory_space<vmem>> -> memref<1x1x4096xf32, #tpu.memory_space<vmem>>
    %dma_start3A_392 = tpu.memref_squeeze %dma_start3A_391 : memref<1x1x4096xf32, #tpu.memory_space<vmem>> -> memref<1x4096xf32, #tpu.memory_space<vmem>>
    %dma_start3A_393 = tpu.memref_slice %arg4[%add3A_385, %mul3A_387] : memref<64x16384xf32, #tpu.memory_space<hbm>> -> memref<1x4096xf32, #tpu.memory_space<hbm>>
    %dma_start3A_394 = tpu.memref_slice %arg4[%add3A_385, %mul3A_387] : memref<64x16384xf32, #tpu.memory_space<hbm>> -> memref<1x4096xf32, #tpu.memory_space<hbm>>
    %dma_start3A_395 = arith.constant 0 : i32
    %dma_start3A_396 = arith.constant 0 : i32
    %dma_start3A_397 = tpu.memref_slice %arg7[%dma_start3A_388, %dma_start3A_395, %dma_start3A_396] : memref<2x1x4096xf32, #tpu.memory_space<vmem>> -> memref<1x1x4096xf32, #tpu.memory_space<vmem>>
    %dma_start3A_398 = tpu.memref_squeeze %dma_start3A_397 : memref<1x1x4096xf32, #tpu.memory_space<vmem>> -> memref<1x4096xf32, #tpu.memory_space<vmem>>
    tpu.enqueue_dma source(%dma_start3A_398 : memref<1x4096xf32, #tpu.memory_space<vmem>>) target(%dma_start3A_394 : memref<1x4096xf32, #tpu.memory_space<hbm>>) target_semaphore(%arg10 : memref<!tpu.dma_semaphore, #tpu.memory_space<semaphore_mem>>)
    %broadcast_in_dim3A_399 = vector.broadcast %rem3A_69 : i32 to vector<16xi32>
    %dma_wait3A_400 = arith.constant 5 : i32
    %dma_wait3A_401 = arith.constant 0 : i32
    %dma_wait3A_402 = tpu.memref_slice %arg5[%rem3A_69, %dma_wait3A_401] : memref<8x14641xf32, #tpu.memory_space<vmem>> -> memref<1x14641xf32, #tpu.memory_space<vmem>>
    %dma_wait3A_403 = arith.constant 0 : i32
    %dma_wait3A_404 = tpu.memref_slice %arg2[%add3A_154, %dma_wait3A_403] : memref<64x14641xf32, #tpu.memory_space<hbm>> -> memref<1x14641xf32, #tpu.memory_space<hbm>>
    %dma_wait3A_405 = tpu.memref_slice %arg9[%dma_wait3A_400] : memref<8x!tpu.dma_semaphore, #tpu.memory_space<semaphore_mem>> -> memref<1x!tpu.dma_semaphore, #tpu.memory_space<semaphore_mem>>
    %dma_wait3A_406 = tpu.memref_squeeze %dma_wait3A_405 : memref<1x!tpu.dma_semaphore, #tpu.memory_space<semaphore_mem>> -> memref<!tpu.dma_semaphore, #tpu.memory_space<semaphore_mem>>
    %dma_wait3A_407 = arith.constant 0 : i32
    %dma_wait3A_408 = tpu.memref_slice %arg5[%rem3A_69, %dma_wait3A_407] : memref<8x14641xf32, #tpu.memory_space<vmem>> -> memref<1x14641xf32, #tpu.memory_space<vmem>>
    %dma_wait3A_409 = arith.constant 0 : i32
    %dma_wait3A_410 = tpu.memref_slice %arg2[%add3A_154, %dma_wait3A_409] : memref<64x14641xf32, #tpu.memory_space<hbm>> -> memref<1x14641xf32, #tpu.memory_space<hbm>>
    tpu.wait_dma2 semaphore(%dma_wait3A_406 : memref<!tpu.dma_semaphore, #tpu.memory_space<semaphore_mem>>) src(%dma_wait3A_410 : memref<1x14641xf32, #tpu.memory_space<hbm>>) dst(%dma_wait3A_408 : memref<1x14641xf32, #tpu.memory_space<vmem>>)
    %mul3A_411 = arith.constant 8 : i32
    %mul3A_412 = arith.muli %select_n3A_9, %mul3A_411 : i32
    %add3A_413 = arith.constant 1 : i32
    %add3A_414 = arith.addi %mul3A_412, %add3A_413 : i32
    %mul3A_415 = arith.constant 4096 : i32
    %mul3A_416 = arith.muli %select_n3A_30, %mul3A_415 : i32
    %dma_wait3A_417 = arith.constant 1 : i32
    %dma_wait3A_418 = arith.constant 0 : i32
    %dma_wait3A_419 = arith.constant 0 : i32
    %dma_wait3A_420 = tpu.memref_slice %arg7[%dma_wait3A_417, %dma_wait3A_418, %dma_wait3A_419] : memref<2x1x4096xf32, #tpu.memory_space<vmem>> -> memref<1x1x4096xf32, #tpu.memory_space<vmem>>
    %dma_wait3A_421 = tpu.memref_squeeze %dma_wait3A_420 : memref<1x1x4096xf32, #tpu.memory_space<vmem>> -> memref<1x4096xf32, #tpu.memory_space<vmem>>
    %dma_wait3A_422 = tpu.memref_slice %arg4[%add3A_414, %mul3A_416] : memref<64x16384xf32, #tpu.memory_space<hbm>> -> memref<1x4096xf32, #tpu.memory_space<hbm>>
    %dma_wait3A_423 = tpu.memref_slice %arg4[%add3A_414, %mul3A_416] : memref<64x16384xf32, #tpu.memory_space<hbm>> -> memref<1x4096xf32, #tpu.memory_space<hbm>>
    %dma_wait3A_424 = arith.constant 0 : i32
    %dma_wait3A_425 = arith.constant 0 : i32
    %dma_wait3A_426 = tpu.memref_slice %arg7[%dma_wait3A_417, %dma_wait3A_424, %dma_wait3A_425] : memref<2x1x4096xf32, #tpu.memory_space<vmem>> -> memref<1x1x4096xf32, #tpu.memory_space<vmem>>
    %dma_wait3A_427 = tpu.memref_squeeze %dma_wait3A_426 : memref<1x1x4096xf32, #tpu.memory_space<vmem>> -> memref<1x4096xf32, #tpu.memory_space<vmem>>
    tpu.wait_dma2 semaphore(%arg10 : memref<!tpu.dma_semaphore, #tpu.memory_space<semaphore_mem>>) src(%dma_wait3A_427 : memref<1x4096xf32, #tpu.memory_space<vmem>>) dst(%dma_wait3A_423 : memref<1x4096xf32, #tpu.memory_space<hbm>>)
    %parallel_loop3A_428 = arith.constant 0 : i32
    %parallel_loop3A_429 = arith.constant 256 : i32
    %parallel_loop3A_430 = arith.constant 1 : i32
    scf.for %parallel_loop3A_577 = %parallel_loop3A_428 to %parallel_loop3A_429 step %parallel_loop3A_430  : i32 {
      %parallel_loop3A_578 = arith.constant 16 : i32
      %parallel_loop3A_579 = arith.muli %parallel_loop3A_577, %parallel_loop3A_578 : i32
      %parallel_loop3A_580 = arith.index_cast %parallel_loop3A_579 : i32 to index
      %parallel_loop3A_581 = tpu.vector_load %arg6[%parallel_loop3A_580] {strides = array<i32>} : memref<4096xi32, #tpu.memory_space<vmem>>, vector<16xi32>,
      %parallel_loop3A_582 = tpu.vector_load_idx %arg5[%broadcast_in_dim3A_399, %parallel_loop3A_581] : memref<8x14641xf32, #tpu.memory_space<vmem>>[vector<16xi32>, vector<16xi32>], vector<16xf32>,
      %parallel_loop3A_583 = arith.constant 16 : i32
      %parallel_loop3A_584 = arith.muli %parallel_loop3A_577, %parallel_loop3A_583 : i32
      %parallel_loop3A_585 = arith.constant 1 : i32
      %parallel_loop3A_586 = arith.constant 0 : i32
      %parallel_loop3A_587 = arith.index_cast %parallel_loop3A_585 : i32 to index
      %parallel_loop3A_588 = arith.index_cast %parallel_loop3A_586 : i32 to index
      %parallel_loop3A_589 = arith.index_cast %parallel_loop3A_584 : i32 to index
      %parallel_loop3A_590 = tpu.vector_load %arg7[%parallel_loop3A_587, %parallel_loop3A_588, %parallel_loop3A_589] {strides = array<i32>} : memref<2x1x4096xf32, #tpu.memory_space<vmem>>, vector<16xf32>,
      tpu.vector_store %arg7[%parallel_loop3A_587, %parallel_loop3A_588, %parallel_loop3A_589], %parallel_loop3A_582 {strides = array<i32>} : memref<2x1x4096xf32, #tpu.memory_space<vmem>>, vector<16xf32>,
    } {sc.loop_unroll_factor = 8 : i64, sc.parallel_access}
    %mul3A_431 = arith.constant 8 : i32
    %mul3A_432 = arith.muli %select_n3A_9, %mul3A_431 : i32
    %add3A_433 = arith.addi %mul3A_432, %rem3A_69 : i32
    %mul3A_434 = arith.constant 4096 : i32
    %mul3A_435 = arith.muli %select_n3A_30, %mul3A_434 : i32
    %dma_start3A_436 = arith.constant 1 : i32
    %dma_start3A_437 = arith.constant 0 : i32
    %dma_start3A_438 = arith.constant 0 : i32
    %dma_start3A_439 = tpu.memref_slice %arg7[%dma_start3A_436, %dma_start3A_437, %dma_start3A_438] : memref<2x1x4096xf32, #tpu.memory_space<vmem>> -> memref<1x1x4096xf32, #tpu.memory_space<vmem>>
    %dma_start3A_440 = tpu.memref_squeeze %dma_start3A_439 : memref<1x1x4096xf32, #tpu.memory_space<vmem>> -> memref<1x4096xf32, #tpu.memory_space<vmem>>
    %dma_start3A_441 = tpu.memref_slice %arg4[%add3A_433, %mul3A_435] : memref<64x16384xf32, #tpu.memory_space<hbm>> -> memref<1x4096xf32, #tpu.memory_space<hbm>>
    %dma_start3A_442 = tpu.memref_slice %arg4[%add3A_433, %mul3A_435] : memref<64x16384xf32, #tpu.memory_space<hbm>> -> memref<1x4096xf32, #tpu.memory_space<hbm>>
    %dma_start3A_443 = arith.constant 0 : i32
    %dma_start3A_444 = arith.constant 0 : i32
    %dma_start3A_445 = tpu.memref_slice %arg7[%dma_start3A_436, %dma_start3A_443, %dma_start3A_444] : memref<2x1x4096xf32, #tpu.memory_space<vmem>> -> memref<1x1x4096xf32, #tpu.memory_space<vmem>>
    %dma_start3A_446 = tpu.memref_squeeze %dma_start3A_445 : memref<1x1x4096xf32, #tpu.memory_space<vmem>> -> memref<1x4096xf32, #tpu.memory_space<vmem>>
    tpu.enqueue_dma source(%dma_start3A_446 : memref<1x4096xf32, #tpu.memory_space<vmem>>) target(%dma_start3A_442 : memref<1x4096xf32, #tpu.memory_space<hbm>>) target_semaphore(%arg10 : memref<!tpu.dma_semaphore, #tpu.memory_space<semaphore_mem>>)
    %broadcast_in_dim3A_447 = vector.broadcast %rem3A_75 : i32 to vector<16xi32>
    %dma_wait3A_448 = arith.constant 6 : i32
    %dma_wait3A_449 = arith.constant 0 : i32
    %dma_wait3A_450 = tpu.memref_slice %arg5[%rem3A_75, %dma_wait3A_449] : memref<8x14641xf32, #tpu.memory_space<vmem>> -> memref<1x14641xf32, #tpu.memory_space<vmem>>
    %dma_wait3A_451 = arith.constant 0 : i32
    %dma_wait3A_452 = tpu.memref_slice %arg2[%add3A_168, %dma_wait3A_451] : memref<64x14641xf32, #tpu.memory_space<hbm>> -> memref<1x14641xf32, #tpu.memory_space<hbm>>
    %dma_wait3A_453 = tpu.memref_slice %arg9[%dma_wait3A_448] : memref<8x!tpu.dma_semaphore, #tpu.memory_space<semaphore_mem>> -> memref<1x!tpu.dma_semaphore, #tpu.memory_space<semaphore_mem>>
    %dma_wait3A_454 = tpu.memref_squeeze %dma_wait3A_453 : memref<1x!tpu.dma_semaphore, #tpu.memory_space<semaphore_mem>> -> memref<!tpu.dma_semaphore, #tpu.memory_space<semaphore_mem>>
    %dma_wait3A_455 = arith.constant 0 : i32
    %dma_wait3A_456 = tpu.memref_slice %arg5[%rem3A_75, %dma_wait3A_455] : memref<8x14641xf32, #tpu.memory_space<vmem>> -> memref<1x14641xf32, #tpu.memory_space<vmem>>
    %dma_wait3A_457 = arith.constant 0 : i32
    %dma_wait3A_458 = tpu.memref_slice %arg2[%add3A_168, %dma_wait3A_457] : memref<64x14641xf32, #tpu.memory_space<hbm>> -> memref<1x14641xf32, #tpu.memory_space<hbm>>
    tpu.wait_dma2 semaphore(%dma_wait3A_454 : memref<!tpu.dma_semaphore, #tpu.memory_space<semaphore_mem>>) src(%dma_wait3A_458 : memref<1x14641xf32, #tpu.memory_space<hbm>>) dst(%dma_wait3A_456 : memref<1x14641xf32, #tpu.memory_space<vmem>>)
    %mul3A_459 = arith.constant 8 : i32
    %mul3A_460 = arith.muli %select_n3A_9, %mul3A_459 : i32
    %add3A_461 = arith.constant 0 : i32
    %add3A_462 = arith.addi %mul3A_460, %add3A_461 : i32
    %mul3A_463 = arith.constant 4096 : i32
    %mul3A_464 = arith.muli %select_n3A_30, %mul3A_463 : i32
    %dma_wait3A_465 = arith.constant 0 : i32
    %dma_wait3A_466 = arith.constant 0 : i32
    %dma_wait3A_467 = arith.constant 0 : i32
    %dma_wait3A_468 = tpu.memref_slice %arg7[%dma_wait3A_465, %dma_wait3A_466, %dma_wait3A_467] : memref<2x1x4096xf32, #tpu.memory_space<vmem>> -> memref<1x1x4096xf32, #tpu.memory_space<vmem>>
    %dma_wait3A_469 = tpu.memref_squeeze %dma_wait3A_468 : memref<1x1x4096xf32, #tpu.memory_space<vmem>> -> memref<1x4096xf32, #tpu.memory_space<vmem>>
    %dma_wait3A_470 = tpu.memref_slice %arg4[%add3A_462, %mul3A_464] : memref<64x16384xf32, #tpu.memory_space<hbm>> -> memref<1x4096xf32, #tpu.memory_space<hbm>>
    %dma_wait3A_471 = tpu.memref_slice %arg4[%add3A_462, %mul3A_464] : memref<64x16384xf32, #tpu.memory_space<hbm>> -> memref<1x4096xf32, #tpu.memory_space<hbm>>
    %dma_wait3A_472 = arith.constant 0 : i32
    %dma_wait3A_473 = arith.constant 0 : i32
    %dma_wait3A_474 = tpu.memref_slice %arg7[%dma_wait3A_465, %dma_wait3A_472, %dma_wait3A_473] : memref<2x1x4096xf32, #tpu.memory_space<vmem>> -> memref<1x1x4096xf32, #tpu.memory_space<vmem>>
    %dma_wait3A_475 = tpu.memref_squeeze %dma_wait3A_474 : memref<1x1x4096xf32, #tpu.memory_space<vmem>> -> memref<1x4096xf32, #tpu.memory_space<vmem>>
    tpu.wait_dma2 semaphore(%arg10 : memref<!tpu.dma_semaphore, #tpu.memory_space<semaphore_mem>>) src(%dma_wait3A_475 : memref<1x4096xf32, #tpu.memory_space<vmem>>) dst(%dma_wait3A_471 : memref<1x4096xf32, #tpu.memory_space<hbm>>)
    %parallel_loop3A_476 = arith.constant 0 : i32
    %parallel_loop3A_477 = arith.constant 256 : i32
    %parallel_loop3A_478 = arith.constant 1 : i32
    scf.for %parallel_loop3A_577 = %parallel_loop3A_476 to %parallel_loop3A_477 step %parallel_loop3A_478  : i32 {
      %parallel_loop3A_578 = arith.constant 16 : i32
      %parallel_loop3A_579 = arith.muli %parallel_loop3A_577, %parallel_loop3A_578 : i32
      %parallel_loop3A_580 = arith.index_cast %parallel_loop3A_579 : i32 to index
      %parallel_loop3A_581 = tpu.vector_load %arg6[%parallel_loop3A_580] {strides = array<i32>} : memref<4096xi32, #tpu.memory_space<vmem>>, vector<16xi32>,
      %parallel_loop3A_582 = tpu.vector_load_idx %arg5[%broadcast_in_dim3A_447, %parallel_loop3A_581] : memref<8x14641xf32, #tpu.memory_space<vmem>>[vector<16xi32>, vector<16xi32>], vector<16xf32>,
      %parallel_loop3A_583 = arith.constant 16 : i32
      %parallel_loop3A_584 = arith.muli %parallel_loop3A_577, %parallel_loop3A_583 : i32
      %parallel_loop3A_585 = arith.constant 0 : i32
      %parallel_loop3A_586 = arith.constant 0 : i32
      %parallel_loop3A_587 = arith.index_cast %parallel_loop3A_585 : i32 to index
      %parallel_loop3A_588 = arith.index_cast %parallel_loop3A_586 : i32 to index
      %parallel_loop3A_589 = arith.index_cast %parallel_loop3A_584 : i32 to index
      %parallel_loop3A_590 = tpu.vector_load %arg7[%parallel_loop3A_587, %parallel_loop3A_588, %parallel_loop3A_589] {strides = array<i32>} : memref<2x1x4096xf32, #tpu.memory_space<vmem>>, vector<16xf32>,
      tpu.vector_store %arg7[%parallel_loop3A_587, %parallel_loop3A_588, %parallel_loop3A_589], %parallel_loop3A_582 {strides = array<i32>} : memref<2x1x4096xf32, #tpu.memory_space<vmem>>, vector<16xf32>,
    } {sc.loop_unroll_factor = 8 : i64, sc.parallel_access}
    %mul3A_479 = arith.constant 8 : i32
    %mul3A_480 = arith.muli %select_n3A_9, %mul3A_479 : i32
    %add3A_481 = arith.addi %mul3A_480, %rem3A_75 : i32
    %mul3A_482 = arith.constant 4096 : i32
    %mul3A_483 = arith.muli %select_n3A_30, %mul3A_482 : i32
    %dma_start3A_484 = arith.constant 0 : i32
    %dma_start3A_485 = arith.constant 0 : i32
    %dma_start3A_486 = arith.constant 0 : i32
    %dma_start3A_487 = tpu.memref_slice %arg7[%dma_start3A_484, %dma_start3A_485, %dma_start3A_486] : memref<2x1x4096xf32, #tpu.memory_space<vmem>> -> memref<1x1x4096xf32, #tpu.memory_space<vmem>>
    %dma_start3A_488 = tpu.memref_squeeze %dma_start3A_487 : memref<1x1x4096xf32, #tpu.memory_space<vmem>> -> memref<1x4096xf32, #tpu.memory_space<vmem>>
    %dma_start3A_489 = tpu.memref_slice %arg4[%add3A_481, %mul3A_483] : memref<64x16384xf32, #tpu.memory_space<hbm>> -> memref<1x4096xf32, #tpu.memory_space<hbm>>
    %dma_start3A_490 = tpu.memref_slice %arg4[%add3A_481, %mul3A_483] : memref<64x16384xf32, #tpu.memory_space<hbm>> -> memref<1x4096xf32, #tpu.memory_space<hbm>>
    %dma_start3A_491 = arith.constant 0 : i32
    %dma_start3A_492 = arith.constant 0 : i32
    %dma_start3A_493 = tpu.memref_slice %arg7[%dma_start3A_484, %dma_start3A_491, %dma_start3A_492] : memref<2x1x4096xf32, #tpu.memory_space<vmem>> -> memref<1x1x4096xf32, #tpu.memory_space<vmem>>
    %dma_start3A_494 = tpu.memref_squeeze %dma_start3A_493 : memref<1x1x4096xf32, #tpu.memory_space<vmem>> -> memref<1x4096xf32, #tpu.memory_space<vmem>>
    tpu.enqueue_dma source(%dma_start3A_494 : memref<1x4096xf32, #tpu.memory_space<vmem>>) target(%dma_start3A_490 : memref<1x4096xf32, #tpu.memory_space<hbm>>) target_semaphore(%arg10 : memref<!tpu.dma_semaphore, #tpu.memory_space<semaphore_mem>>)
    %broadcast_in_dim3A_495 = vector.broadcast %rem3A_81 : i32 to vector<16xi32>
    %dma_wait3A_496 = arith.constant 7 : i32
    %dma_wait3A_497 = arith.constant 0 : i32
    %dma_wait3A_498 = tpu.memref_slice %arg5[%rem3A_81, %dma_wait3A_497] : memref<8x14641xf32, #tpu.memory_space<vmem>> -> memref<1x14641xf32, #tpu.memory_space<vmem>>
    %dma_wait3A_499 = arith.constant 0 : i32
    %dma_wait3A_500 = tpu.memref_slice %arg2[%add3A_182, %dma_wait3A_499] : memref<64x14641xf32, #tpu.memory_space<hbm>> -> memref<1x14641xf32, #tpu.memory_space<hbm>>
    %dma_wait3A_501 = tpu.memref_slice %arg9[%dma_wait3A_496] : memref<8x!tpu.dma_semaphore, #tpu.memory_space<semaphore_mem>> -> memref<1x!tpu.dma_semaphore, #tpu.memory_space<semaphore_mem>>
    %dma_wait3A_502 = tpu.memref_squeeze %dma_wait3A_501 : memref<1x!tpu.dma_semaphore, #tpu.memory_space<semaphore_mem>> -> memref<!tpu.dma_semaphore, #tpu.memory_space<semaphore_mem>>
    %dma_wait3A_503 = arith.constant 0 : i32
    %dma_wait3A_504 = tpu.memref_slice %arg5[%rem3A_81, %dma_wait3A_503] : memref<8x14641xf32, #tpu.memory_space<vmem>> -> memref<1x14641xf32, #tpu.memory_space<vmem>>
    %dma_wait3A_505 = arith.constant 0 : i32
    %dma_wait3A_506 = tpu.memref_slice %arg2[%add3A_182, %dma_wait3A_505] : memref<64x14641xf32, #tpu.memory_space<hbm>> -> memref<1x14641xf32, #tpu.memory_space<hbm>>
    tpu.wait_dma2 semaphore(%dma_wait3A_502 : memref<!tpu.dma_semaphore, #tpu.memory_space<semaphore_mem>>) src(%dma_wait3A_506 : memref<1x14641xf32, #tpu.memory_space<hbm>>) dst(%dma_wait3A_504 : memref<1x14641xf32, #tpu.memory_space<vmem>>)
    %mul3A_507 = arith.constant 8 : i32
    %mul3A_508 = arith.muli %select_n3A_9, %mul3A_507 : i32
    %add3A_509 = arith.constant 1 : i32
    %add3A_510 = arith.addi %mul3A_508, %add3A_509 : i32
    %mul3A_511 = arith.constant 4096 : i32
    %mul3A_512 = arith.muli %select_n3A_30, %mul3A_511 : i32
    %dma_wait3A_513 = arith.constant 1 : i32
    %dma_wait3A_514 = arith.constant 0 : i32
    %dma_wait3A_515 = arith.constant 0 : i32
    %dma_wait3A_516 = tpu.memref_slice %arg7[%dma_wait3A_513, %dma_wait3A_514, %dma_wait3A_515] : memref<2x1x4096xf32, #tpu.memory_space<vmem>> -> memref<1x1x4096xf32, #tpu.memory_space<vmem>>
    %dma_wait3A_517 = tpu.memref_squeeze %dma_wait3A_516 : memref<1x1x4096xf32, #tpu.memory_space<vmem>> -> memref<1x4096xf32, #tpu.memory_space<vmem>>
    %dma_wait3A_518 = tpu.memref_slice %arg4[%add3A_510, %mul3A_512] : memref<64x16384xf32, #tpu.memory_space<hbm>> -> memref<1x4096xf32, #tpu.memory_space<hbm>>
    %dma_wait3A_519 = tpu.memref_slice %arg4[%add3A_510, %mul3A_512] : memref<64x16384xf32, #tpu.memory_space<hbm>> -> memref<1x4096xf32, #tpu.memory_space<hbm>>
    %dma_wait3A_520 = arith.constant 0 : i32
    %dma_wait3A_521 = arith.constant 0 : i32
    %dma_wait3A_522 = tpu.memref_slice %arg7[%dma_wait3A_513, %dma_wait3A_520, %dma_wait3A_521] : memref<2x1x4096xf32, #tpu.memory_space<vmem>> -> memref<1x1x4096xf32, #tpu.memory_space<vmem>>
    %dma_wait3A_523 = tpu.memref_squeeze %dma_wait3A_522 : memref<1x1x4096xf32, #tpu.memory_space<vmem>> -> memref<1x4096xf32, #tpu.memory_space<vmem>>
    tpu.wait_dma2 semaphore(%arg10 : memref<!tpu.dma_semaphore, #tpu.memory_space<semaphore_mem>>) src(%dma_wait3A_523 : memref<1x4096xf32, #tpu.memory_space<vmem>>) dst(%dma_wait3A_519 : memref<1x4096xf32, #tpu.memory_space<hbm>>)
    %parallel_loop3A_524 = arith.constant 0 : i32
    %parallel_loop3A_525 = arith.constant 256 : i32
    %parallel_loop3A_526 = arith.constant 1 : i32
    scf.for %parallel_loop3A_577 = %parallel_loop3A_524 to %parallel_loop3A_525 step %parallel_loop3A_526  : i32 {
      %parallel_loop3A_578 = arith.constant 16 : i32
      %parallel_loop3A_579 = arith.muli %parallel_loop3A_577, %parallel_loop3A_578 : i32
      %parallel_loop3A_580 = arith.index_cast %parallel_loop3A_579 : i32 to index
      %parallel_loop3A_581 = tpu.vector_load %arg6[%parallel_loop3A_580] {strides = array<i32>} : memref<4096xi32, #tpu.memory_space<vmem>>, vector<16xi32>,
      %parallel_loop3A_582 = tpu.vector_load_idx %arg5[%broadcast_in_dim3A_495, %parallel_loop3A_581] : memref<8x14641xf32, #tpu.memory_space<vmem>>[vector<16xi32>, vector<16xi32>], vector<16xf32>,
      %parallel_loop3A_583 = arith.constant 16 : i32
      %parallel_loop3A_584 = arith.muli %parallel_loop3A_577, %parallel_loop3A_583 : i32
      %parallel_loop3A_585 = arith.constant 1 : i32
      %parallel_loop3A_586 = arith.constant 0 : i32
      %parallel_loop3A_587 = arith.index_cast %parallel_loop3A_585 : i32 to index
      %parallel_loop3A_588 = arith.index_cast %parallel_loop3A_586 : i32 to index
      %parallel_loop3A_589 = arith.index_cast %parallel_loop3A_584 : i32 to index
      %parallel_loop3A_590 = tpu.vector_load %arg7[%parallel_loop3A_587, %parallel_loop3A_588, %parallel_loop3A_589] {strides = array<i32>} : memref<2x1x4096xf32, #tpu.memory_space<vmem>>, vector<16xf32>,
      tpu.vector_store %arg7[%parallel_loop3A_587, %parallel_loop3A_588, %parallel_loop3A_589], %parallel_loop3A_582 {strides = array<i32>} : memref<2x1x4096xf32, #tpu.memory_space<vmem>>, vector<16xf32>,
    } {sc.loop_unroll_factor = 8 : i64, sc.parallel_access}
    %mul3A_527 = arith.constant 8 : i32
    %mul3A_528 = arith.muli %select_n3A_9, %mul3A_527 : i32
    %add3A_529 = arith.addi %mul3A_528, %rem3A_81 : i32
    %mul3A_530 = arith.constant 4096 : i32
    %mul3A_531 = arith.muli %select_n3A_30, %mul3A_530 : i32
    %dma_start3A_532 = arith.constant 1 : i32
    %dma_start3A_533 = arith.constant 0 : i32
    %dma_start3A_534 = arith.constant 0 : i32
    %dma_start3A_535 = tpu.memref_slice %arg7[%dma_start3A_532, %dma_start3A_533, %dma_start3A_534] : memref<2x1x4096xf32, #tpu.memory_space<vmem>> -> memref<1x1x4096xf32, #tpu.memory_space<vmem>>
    %dma_start3A_536 = tpu.memref_squeeze %dma_start3A_535 : memref<1x1x4096xf32, #tpu.memory_space<vmem>> -> memref<1x4096xf32, #tpu.memory_space<vmem>>
    %dma_start3A_537 = tpu.memref_slice %arg4[%add3A_529, %mul3A_531] : memref<64x16384xf32, #tpu.memory_space<hbm>> -> memref<1x4096xf32, #tpu.memory_space<hbm>>
    %dma_start3A_538 = tpu.memref_slice %arg4[%add3A_529, %mul3A_531] : memref<64x16384xf32, #tpu.memory_space<hbm>> -> memref<1x4096xf32, #tpu.memory_space<hbm>>
    %dma_start3A_539 = arith.constant 0 : i32
    %dma_start3A_540 = arith.constant 0 : i32
    %dma_start3A_541 = tpu.memref_slice %arg7[%dma_start3A_532, %dma_start3A_539, %dma_start3A_540] : memref<2x1x4096xf32, #tpu.memory_space<vmem>> -> memref<1x1x4096xf32, #tpu.memory_space<vmem>>
    %dma_start3A_542 = tpu.memref_squeeze %dma_start3A_541 : memref<1x1x4096xf32, #tpu.memory_space<vmem>> -> memref<1x4096xf32, #tpu.memory_space<vmem>>
    tpu.enqueue_dma source(%dma_start3A_542 : memref<1x4096xf32, #tpu.memory_space<vmem>>) target(%dma_start3A_538 : memref<1x4096xf32, #tpu.memory_space<hbm>>) target_semaphore(%arg10 : memref<!tpu.dma_semaphore, #tpu.memory_space<semaphore_mem>>)
    %mul3A_543 = arith.constant 8 : i32
    %mul3A_544 = arith.muli %select_n3A_9, %mul3A_543 : i32
    %add3A_545 = arith.constant 0 : i32
    %add3A_546 = arith.addi %mul3A_544, %add3A_545 : i32
    %mul3A_547 = arith.constant 4096 : i32
    %mul3A_548 = arith.muli %select_n3A_30, %mul3A_547 : i32
    %dma_wait3A_549 = arith.constant 0 : i32
    %dma_wait3A_550 = arith.constant 0 : i32
    %dma_wait3A_551 = arith.constant 0 : i32
    %dma_wait3A_552 = tpu.memref_slice %arg7[%dma_wait3A_549, %dma_wait3A_550, %dma_wait3A_551] : memref<2x1x4096xf32, #tpu.memory_space<vmem>> -> memref<1x1x4096xf32, #tpu.memory_space<vmem>>
    %dma_wait3A_553 = tpu.memref_squeeze %dma_wait3A_552 : memref<1x1x4096xf32, #tpu.memory_space<vmem>> -> memref<1x4096xf32, #tpu.memory_space<vmem>>
    %dma_wait3A_554 = tpu.memref_slice %arg4[%add3A_546, %mul3A_548] : memref<64x16384xf32, #tpu.memory_space<hbm>> -> memref<1x4096xf32, #tpu.memory_space<hbm>>
    %dma_wait3A_555 = tpu.memref_slice %arg4[%add3A_546, %mul3A_548] : memref<64x16384xf32, #tpu.memory_space<hbm>> -> memref<1x4096xf32, #tpu.memory_space<hbm>>
    %dma_wait3A_556 = arith.constant 0 : i32
    %dma_wait3A_557 = arith.constant 0 : i32
    %dma_wait3A_558 = tpu.memref_slice %arg7[%dma_wait3A_549, %dma_wait3A_556, %dma_wait3A_557] : memref<2x1x4096xf32, #tpu.memory_space<vmem>> -> memref<1x1x4096xf32, #tpu.memory_space<vmem>>
    %dma_wait3A_559 = tpu.memref_squeeze %dma_wait3A_558 : memref<1x1x4096xf32, #tpu.memory_space<vmem>> -> memref<1x4096xf32, #tpu.memory_space<vmem>>
    tpu.wait_dma2 semaphore(%arg10 : memref<!tpu.dma_semaphore, #tpu.memory_space<semaphore_mem>>) src(%dma_wait3A_559 : memref<1x4096xf32, #tpu.memory_space<vmem>>) dst(%dma_wait3A_555 : memref<1x4096xf32, #tpu.memory_space<hbm>>)
    %mul3A_560 = arith.constant 8 : i32
    %mul3A_561 = arith.muli %select_n3A_9, %mul3A_560 : i32
    %add3A_562 = arith.constant 1 : i32
    %add3A_563 = arith.addi %mul3A_561, %add3A_562 : i32
    %mul3A_564 = arith.constant 4096 : i32
    %mul3A_565 = arith.muli %select_n3A_30, %mul3A_564 : i32
    %dma_wait3A_566 = arith.constant 1 : i32
    %dma_wait3A_567 = arith.constant 0 : i32
    %dma_wait3A_568 = arith.constant 0 : i32
    %dma_wait3A_569 = tpu.memref_slice %arg7[%dma_wait3A_566, %dma_wait3A_567, %dma_wait3A_568] : memref<2x1x4096xf32, #tpu.memory_space<vmem>> -> memref<1x1x4096xf32, #tpu.memory_space<vmem>>
    %dma_wait3A_570 = tpu.memref_squeeze %dma_wait3A_569 : memref<1x1x4096xf32, #tpu.memory_space<vmem>> -> memref<1x4096xf32, #tpu.memory_space<vmem>>
    %dma_wait3A_571 = tpu.memref_slice %arg4[%add3A_563, %mul3A_565] : memref<64x16384xf32, #tpu.memory_space<hbm>> -> memref<1x4096xf32, #tpu.memory_space<hbm>>
    %dma_wait3A_572 = tpu.memref_slice %arg4[%add3A_563, %mul3A_565] : memref<64x16384xf32, #tpu.memory_space<hbm>> -> memref<1x4096xf32, #tpu.memory_space<hbm>>
    %dma_wait3A_573 = arith.constant 0 : i32
    %dma_wait3A_574 = arith.constant 0 : i32
    %dma_wait3A_575 = tpu.memref_slice %arg7[%dma_wait3A_566, %dma_wait3A_573, %dma_wait3A_574] : memref<2x1x4096xf32, #tpu.memory_space<vmem>> -> memref<1x1x4096xf32, #tpu.memory_space<vmem>>
    %dma_wait3A_576 = tpu.memref_squeeze %dma_wait3A_575 : memref<1x1x4096xf32, #tpu.memory_space<vmem>> -> memref<1x4096xf32, #tpu.memory_space<vmem>>
    tpu.wait_dma2 semaphore(%arg10 : memref<!tpu.dma_semaphore, #tpu.memory_space<semaphore_mem>>) src(%dma_wait3A_576 : memref<1x4096xf32, #tpu.memory_space<vmem>>) dst(%dma_wait3A_572 : memref<1x4096xf32, #tpu.memory_space<hbm>>)
    return
  }
}

</mosaic_0001>

<sc_bundles>
// kernel: kernel.3.cloned.1.call-start
scs
__scs_entry_jumppad:
0x0: {  	(pc) =	sbr.rel $0x88, $3  }
0x1: {  	(tag) =	ssettag $0x0;
	lr =	simm.s32 $0x1  }
0x2: {  	[smem:$0x3F9F] =	sst lr;
	_ =	strace $0xD0000000  }
0x3: {  	_ = 	snop  }
0x4: {  	_ = 	snop  }
0x5: {  	_ = 	snop  }
0x6: {  	_ = 	snop  }
0x7: {  	_ = 	snop  }
__scs_overlays_trampoline_lowered:
0x8: {  	[smem:$0x3FAE] =	sst s0  }
0x9: {  	[smem:$0x3FAF] =	sst s1  }
0xa: {  	[smem:$0x3FB0] =	sst s2  }
0xb: {  	[smem:$0x3FB1] =	sst s3  }
0xc: {  	[smem:$0x3FB2] =	sst s4  }
0xd: {  	[smem:$0x3FB3] =	sst s5  }
0xe: {  	[smem:$0x3FB4] =	sst s6  }
0xf: {  	[smem:$0x3FB5] =	sst s7  }
0x10: {  	[smem:$0x3FB6] =	sst s8  }
0x11: {  	[smem:$0x3FB7] =	sst s9;
	s0 =	simm.s32 @!p0 $0x0  }
0x12: {  	s1 =	sld [smem:$0x3F9D];
	s0 =	simm.s32 @p0 $0x1  }
0x13: {  	[smem:$0x3FB8] =	sst s0;
	s0 =	simm.s32 @!p1 $0x0  }
0x14: {  	s2 =	sld [smem:$0x3F9C];
	s0 =	simm.s32 @p1 $0x1  }
0x15: {  	[smem:$0x3FB9] =	sst s0;
	s0 =	simm.s32 @!p2 $0x0  }
0x16: {  	s3 =	sld [smem:$0x3FDB];
	s0 =	simm.s32 @p2 $0x1  }
0x17: {  	s4 =	simm.s32 $0x1BF5;
	[smem:$0x3FBB] =	sst s0  }
0x18: {  	s0 =	sld [smem:$0x3F9E];
	_ =	swait.ge [sflag:s4], $0x0  }
0x19: {  	s7 =	sld [smem:$0x3F9F]  }
0x1a: {  	s8 =	sadd.s32 $0xFFFFE003, lr  }
0x1b: {  	s9 =	sadd.s32 $0xFFFFFEF7, lr;
	s5 =	simm.s32 $0xFFFFFFFF;
	p2 =	slt.u32 s8, $0xFFFFF086  }
0x1c: {  	p1 =	slt.u32 s9, $0xF7A;
	s5 =	simm.s32 @!p2 $0x0  }
0x1d: {  	s5 =	simm.s32 @p1 $0x1;
	p0 =	seq.s32 s7, s2  }
0x1e: {  	s7 =	smul.u32 @!p0 $0xF7A, s2;
	p2 =	seq.s32 @!p0 s5, $0x0  }
0x1f: {  	s9 =	smul.u32 $0xF7A, s1;
	s8 =	simm.s32 @!p0 $0x1BF5;
	p2 =	por !p2, p0  }
0x20: {  	[sflag:s8] =	ssyncset.s32 @!p0 $0xFFFFF086;
	s6 =	sadd.s32 @!p0 s3, s7;
	s7 =	simm.s32 @!p0 $0x108  }
0x21: {  	s3 =	sadd.s32 s3, s9;
	s6 =	sadd.s32 @!p0 $0x88, s6;
	s7 =	simm.s32 @p2 $0x1082  }
0x22: {  	[simem:s7], [sflag:s8] =	dma.local @!p0 [hbm:s6], $0xF7A  }
0x23: {  	s9 =	sor.u32 $0xD0000000, s2;
	s6 =	simm.s32 $0x108;
	_ =	swait.ge @!p0 [sflag:s8], $0x0  }
0x24: {  	s3 =	sadd.s32 $0x88, s3;
	s6 =	simm.s32 @!p1 $0x1082;
	[sflag:s4] =	ssyncset.s32 $0xFFFFF086  }
0x25: {  	[simem:s6], [sflag:s4] =	dma.local [hbm:s3], $0xF7A  }
0x26: {  	[smem:$0x3F9F] =	sst s1;
	(tag) =	ssettag s2;
	_ =	strace s9  }
0x27: {  	s1 =	sld [smem:$0x3FAF]  }
0x28: {  	s2 =	sld [smem:$0x3FB0]  }
0x29: {  	s4 =	sld [smem:$0x3FB2]  }
0x2a: {  	p0 =	seq.s32 s5, $0x0;
	s5 =	sld [smem:$0x3FB3]  }
0x2b: {  	s6 =	sld [smem:$0x3FB4]  }
0x2c: {  	s7 =	sld [smem:$0x3FB5]  }
0x2d: {  	s3 =	simm.s32 $0x108;
	s8 =	sld [smem:$0x3FB6]  }
0x2e: {  	s3 =	simm.s32 @!p0 $0x1082;
	s9 =	sld [smem:$0x3FB7]  }
0x2f: {  	lr =	sadd.s32 s0, s3;
	s0 =	sld [smem:$0x3FAE]  }
0x30: {  	s3 =	sld [smem:$0x3FB1]  }
0x31: {  	[smem:$0x3FBA] =	sst s10  }
0x32: {  	s10 =	sld [smem:$0x3FB8];
	_ =	sdelay $0x3  }
0x33: {  	p0 =	seq.s32 s10, $0x1;
	s10 =	sld [smem:$0x3FBA];
	_ =	sdelay $0x3  }
0x34: {  	[smem:$0x3FBA] =	sst s10  }
0x35: {  	s10 =	sld [smem:$0x3FB9];
	_ =	sdelay $0x3  }
0x36: {  	p1 =	seq.s32 s10, $0x1;
	s10 =	sld [smem:$0x3FBA];
	_ =	sdelay $0x3  }
0x37: {  	[smem:$0x3FBA] =	sst s10  }
0x38: {  	s10 =	sld [smem:$0x3FBB]  }
0x39: {  	_ = 	snop;
	(pc) =	sbr.ind lr, $3  }
0x3a: {  	_ = 	snop  }
0x3b: {  	_ = 	snop  }
0x3c: {  	p2 =	seq.s32 s10, $0x1;
	s10 =	sld [smem:$0x3FBA]  }
0x3d: {  	_ =	shalt  }
0x3e: {  	_ =	shalt  }
0x3f: {  	_ =	shalt  }
0x40: {  	_ =	shalt  }
0x41: {  	_ =	shalt  }
0x42: {  	_ =	shalt  }
0x43: {  	_ =	shalt  }
0x44: {  	_ =	shalt  }
0x45: {  	_ =	shalt  }
0x46: {  	_ =	shalt  }
0x47: {  	_ =	shalt  }
0x48: {  	_ =	shalt  }
0x49: {  	_ =	shalt  }
0x4a: {  	_ =	shalt  }
0x4b: {  	_ =	shalt  }
0x4c: {  	_ =	shalt  }
0x4d: {  	_ =	shalt  }
0x4e: {  	_ =	shalt  }
0x4f: {  	_ =	shalt  }
0x50: {  	_ =	shalt  }
0x51: {  	_ =	shalt  }
0x52: {  	_ =	shalt  }
0x53: {  	_ =	shalt  }
0x54: {  	_ =	shalt  }
0x55: {  	_ =	shalt  }
0x56: {  	_ =	shalt  }
0x57: {  	_ =	shalt  }
0x58: {  	_ =	shalt  }
0x59: {  	_ =	shalt  }
0x5a: {  	_ =	shalt  }
0x5b: {  	_ =	shalt  }
0x5c: {  	_ =	shalt  }
0x5d: {  	_ =	shalt  }
0x5e: {  	_ =	shalt  }
0x5f: {  	_ =	shalt  }
0x60: {  	_ =	shalt  }
0x61: {  	_ =	shalt  }
0x62: {  	_ =	shalt  }
0x63: {  	_ =	shalt  }
0x64: {  	_ =	shalt  }
0x65: {  	_ =	shalt  }
0x66: {  	_ =	shalt  }
0x67: {  	_ =	shalt  }
0x68: {  	_ =	shalt  }
0x69: {  	_ =	shalt  }
0x6a: {  	_ =	shalt  }
0x6b: {  	_ =	shalt  }
0x6c: {  	_ =	shalt  }
0x6d: {  	_ =	shalt  }
0x6e: {  	_ =	shalt  }
0x6f: {  	_ =	shalt  }
0x70: {  	_ =	shalt  }
0x71: {  	_ =	shalt  }
0x72: {  	_ =	shalt  }
0x73: {  	_ =	shalt  }
0x74: {  	_ =	shalt  }
0x75: {  	_ =	shalt  }
0x76: {  	_ =	shalt  }
0x77: {  	_ =	shalt  }
0x78: {  	_ =	shalt  }
0x79: {  	_ =	shalt  }
0x7a: {  	_ =	shalt  }
0x7b: {  	_ =	shalt  }
0x7c: {  	_ =	shalt  }
0x7d: {  	_ =	shalt  }
0x7e: {  	_ =	shalt  }
0x7f: {  	_ =	shalt  }
0x80: {  	_ =	shalt  }
0x81: {  	_ =	shalt  }
0x82: {  	_ =	shalt  }
0x83: {  	_ =	shalt  }
0x84: {  	_ =	shalt  }
0x85: {  	_ =	shalt  }
0x86: {  	_ =	shalt  }
0x87: {  	_ =	shalt  }
.Lfunc_end0:
.L_simem_size_0:
called_computation_lowered:
.L_overlay_start_0:
0x88: {  	s2 =	sld [smem:$0x3FD9]  }
0x89: {  	s3 =	sld [smem:$0x3FFE];
	_ =	sdelay $0x1  }
0x8a: {  	s1 =	srdreg.scid  }
0x8b: {  	s0 =	sand.u32 $0x1, s1  }
0x8c: {  	s18 =	sshll.u32 s0, $0xA;
	s2 =	sadd.s32 s3, s2  }
0x8d: {  	s2 =	sadd.s32 s2, s18  }
0x8e: {  	[smem:$0x3FC6] =	sst s2  }
0x8f: {  	_ = 	snop  }
0x90: {  	s2 =	sld [smem:$0x3FC9]  }
0x91: {  	s19 =	sld [smem:$0x3FC8]  }
0x92: {  	s4 =	sld [smem:$0x3FD0];
	(tm) =	ssettm $0x1  }
0x93: {  	s5 =	sld [smem:$0x3FFB];
	_ =	sdelay $0x3  }
0x94: {  	_ =	strace s5  }
0x95: {  	s5 =	sld [smem:$0x3FFC];
	_ =	sdelay $0x3  }
0x96: {  	_ =	strace s5  }
0x97: {  	s5 =	sld [smem:$0x3FFD];
	_ =	sdelay $0x3  }
0x98: {  	_ =	strace s5  }
0x99: {  	_ =	strace $0x8FFFFFFF  }
0x9a: {  	s20 =	sld [smem:$0x3FDB];
	_ =	sdelay $0x1  }
0x9b: {  	s6 =	simm.s32 $_scs_section_size  }
0x9c: {  	s7 =	simm.s32 $_size__tile_overlayer_lowered;
	s8 =	simm.s32 $_tile_overlayer_lowered  }
0x9d: {  	s23 =	simm.s32 $0x1BFF;
	s22 =	sshll.u32 s8, $0x1;
	s5 =	sadd.s32 s6, s20  }
0x9e: {  	s9 =	simm.s32 $0x0;
	s21 =	sshll.u32 s7, $0x1;
	s7 =	sadd.s32 s22, s5  }
0x9f: {  	[timem:s9], [sflag:s23] =	dma.local [hbm:s7], s21  }
0xa0: {  	_ =	swait.ge [sflag:s23], s21  }
0xa1: {  	s6 =	ssub.s32 $0x0, s21;
	[sflag:s23] =	ssyncset.done $0x0  }
0xa2: {  	[sflag:s23] =	ssyncadd.s32 s6;
	_ =	sdelay $0x1  }
0xa3: {  	s24 =	simm.s32 $0x1B8B  }
0xa4: {  	_ =	swait.ge [sflag:s24], $0x1  }
0xa5: {  	[sflag:s24] =	ssyncset.done $0x0  }
0xa6: {  	s25 =	simm.s32 $0x1B8E;
	[sflag:s24] =	ssyncadd.s32 $0xFFFFFFFF  }
0xa7: {  	s26 =	simm.s32 $execute0_lowered;
	[smem:$0x3FD2] =	sst s25  }
0xa8: {  	s6 =	sshll.u32 s26, $0x1;
	_ =	strace $0x80000046;
	[dreg:$0x1] =	wrdreg $0xFFFFFFFF  }
0xa9: {  	s28 =	simm.s32 $_size_execute0_lowered;
	s5 =	sadd.s32 s5, s6;
	[dreg:$0x0] =	wrdreg $0x0  }
0xaa: {  	s6 =	sshll.u32 s28, $0x1;
	[dreg:$0x2] =	wrdreg s5  }
0xab: {  	[dreg:$0x3] =	wrdreg s6  }
0xac: {  	[dreg:$0x4] =	wrdreg $0xC0  }
0xad: {  	_ =	task [dreg:s9], $0x5FFFF  }
0xae: {  	[dreg:$0x1] =	wrdreg $0xFFFFFFFF  }
0xaf: {  	[dreg:$0x0] =	wrdreg $0x60  }
0xb0: {  	[dreg:$0x2] =	wrdreg s2  }
0xb1: {  	[dreg:$0x3] =	wrdreg s19  }
0xb2: {  	[dreg:$0x4] =	wrdreg s4  }
0xb3: {  	[dreg:$0x5] =	wrdreg $0x9  }
0xb4: {  	_ =	task.clear_ibuf [dreg:s9], $0x6FFFF;
	_ =	strace $0x90000046  }
0xb5: {  	s29 =	simm.s32 $0x9;
	_ =	strace $0x80000048  }
0xb6: {  	_ =	swait.ge [sflag:s29], $0x1  }
0xb7: {  	[sflag:s29] =	ssyncadd.s32 $0xFFFFFFFF  }
0xb8: {  	_ =	strace $0x90000048  }
0xb9: {  	_ =	sfence  }
0xba: {  	s30 =	sld [smem:$0x0];
	_ =	sdelay $0x2  }
0xbb: {  	s31 =	sshll.u32 s1, $0xD;
	s1 =	sshrl.u32 s1, $0x2  }
0xbc: {  	s3 =	sand.u32 $0x4000, s31;
	s1 =	sadd.s32 s1, s30  }
0xbd: {  	s0 =	sor.u32 s3, s0;
	s1 =	sshll.u32 s1, $0x11  }
0xbe: {  	s0 =	sor.u32 s1, s0  }
0xbf: {  	s0 =	sadd.s32 $0x8F2B, s0  }
0xc0: {  	[sflag:s0] =	ssyncadd.remote.s32 $0x1  }
0xc1: {  	_ =	sfence.sel $0xFFFF  }
0xc2: {  	[dreg:$0x0] =	wrdreg $0xFFFFFFFF;
	(pc) =	sbr.abs _section_cstart, $3  }
0xc3: {  	[dreg:$0x1] =	wrdreg $0xFFFFFFFF  }
0xc4: {  	_ =	task.clear_ibuf [dreg:s9], $0x2FFFF;
	_ =	strace $0x9FFFFFFF  }
0xc5: {  	(tm) =	ssettm $0x7FFFFFFF  }
tec
execute0_lowered:
.L_overlay_start_1:
0x0: {  	(tag) =	ssettag $0x1  }
0x1: {  	s16 =	rddreg [dreg:$0x0]  }
0x2: {  	s0 =	srdreg.scid;
	s2 =	rddreg [dreg:$0x1]  }
0x3: {  	s5 =	stileid.u32;
	s29 =	rddreg [dreg:$0x2]  }
0x4: {  	s31 =	simm.s32 $0x0;
	s1 =	sand.u32 $0x1, s0;
	s4 =	sshll.u32 s5, $0x1  }
0x5: {  	s26 =	sshrl.u32 s5, $0x2;
	s0 =	ssub.s32 $0x2, s1;
	s25 =	sand.u32 $0x6, s4  }
0x6: {  	s5 =	sshll.u32 s26, $0x9;
	s12 =	sshll.u32 s26, $0xF;
	s23 =	sshllo.u32 s26, $0x1  }
0x7: {  	s3 =	sshrl.u32 s0, $0x1;
	s11 =	sor.u32 s1, s25;
	s1 =	sshll.u32 s26, $0x1  }
0x8: {  	s2 =	sadd.s32 s2, s5;
	s25 =	sshll.u32 s23, $0x7;
	s0 =	ssub.s32 s0, s3  }
0x9: {  	[dreg:$0x4] =	wrdreg s2;
	s6 =	sadd.s32 $0x2, s1;
	s7 =	sadd.s32 $0x3, s1  }
0xa: {  	s19 =	sxor.u32 $0x4, s1;
	s8 =	sadd.s32 $0x5, s1;
	s9 =	sadd.s32 $0x6, s1  }
0xb: {  	s14 =	smul.u32 $0x1CC00, s11;
	s2 =	sshll.u32 s26, $0x8;
	s10 =	sadd.s32 $0xFFFFFFFF, s1  }
0xc: {  	s24 =	sand.u32 $0x6, s6;
	s18 =	sand.u32 $0x7, s7;
	s22 =	sand.u32 $0x7, s8  }
0xd: {  	s20 =	sand.u32 $0x6, s9;
	s21 =	sand.u32 $0x7, s10;
	s7 =	sshll.u32 s19, $0x7  }
0xe: {  	v4 =	vmov s19;
	s0 =	smax.u32 s0, $0x1;
	s19 =	simm.s32 $0x1EC00;
	s4 =	sor.u32 s2, s14  }
0xf: {  	s13 =	sor.u32 s25, s14;
	s5 =	sshll.u32 s24, $0x7;
	s6 =	sshll.u32 s18, $0x7  }
0x10: {  	s10 =	sor.u32 s7, s14;
	s15 =	sshrl.u32 s4, $0x3;
	s17 =	sshrl.u32 s13, $0x3  }
0x11: {  	s8 =	sor.u32 s14, s5;
	s9 =	sor.u32 s14, s6;
	s10 =	sshrl.u32 s10, $0x3  }
0x12: {  	s13 =	sshll.u32 s11, $0x11;
	s11 =	sshll.u32 s22, $0x7;
	s3 =	sadd.s32 s16, s15  }
0x13: {  	s4 =	sadd.s32 s16, s17;
	s8 =	sshrl.u32 s8, $0x3;
	s9 =	sshrl.u32 s9, $0x3  }
0x14: {  	s10 =	sadd.s32 s16, s10;
	s26 =	sor.u32 s12, s13;
	s12 =	sshll.u32 s20, $0x7  }
0x15: {  	v7 =	vmov s21;
	s15 =	sor.u32 s14, s11;
	s13 =	sshll.u32 s21, $0x7;
	s21 =	simm.s32 $0xA  }
0x16: {  	s8 =	sadd.s32 s16, s8;
	s9 =	sadd.s32 s16, s9;
	s17 =	sor.u32 s14, s12  }
0x17: {  	s15 =	sshrl.u32 s15, $0x3;
	s28 =	sor.u32 s14, s13;
	s25 =	sor.u32 s25, s26  }
0x18: {  	v1 =	vmov s23;
	v2 =	vmov s24;
	s30 =	sor.u32 s5, s26;
	s23 =	sor.u32 s12, s26;
	s24 =	sor.u32 s13, s26  }
0x19: {  	s17 =	sshrl.u32 s17, $0x3;
	s14 =	sadd.s32 s16, s15;
	s25 =	sshrl.u32 s25, $0x3  }
0x1a: {  	v0 =	vmov s1;
	s1 =	sshrl.u32 s23, $0x3;
	s23 =	simm.s32 $0x6;
	s15 =	sadd.s32 s16, s17  }
0x1b: {  	s17 =	sshrl.u32 s28, $0x3;
	s28 =	sor.u32 s2, s26;
	s25 =	sadd.s32 s29, s25  }
0x1c: {  	s1 =	sadd.s32 s29, s1;
	[dreg:$0x6] =	wrdreg s25;
	s25 =	sshrl.u32 s30, $0x3  }
0x1d: {  	s16 =	sadd.s32 s16, s17;
	s28 =	sshrl.u32 s28, $0x3;
	s25 =	sadd.s32 s29, s25  }
0x1e: {  	s28 =	sadd.s32 s29, s28;
	[dreg:$0x7] =	wrdreg s25;
	s25 =	sor.u32 s6, s26  }
0x1f: {  	v1 =	vshll.u32 v1, $0x7;
	[dreg:$0x5] =	wrdreg s28;
	s28 =	sor.u32 s7, s26;
	s25 =	sshrl.u32 s25, $0x3  }
0x20: {  	v0 =	vshll.u32 v0, $0x7;
	v1 =	vand.u32 $0x380, v1;
	v3 =	vmov s18;
	[dreg:$0xb] =	wrdreg s1;
	s28 =	sshrl.u32 s28, $0x3;
	s25 =	sadd.s32 s29, s25  }
0x21: {  	v5 =	vmov s22;
	v6 =	vmov s20;
	v0 =	vbroadcast v0, $0x0;
	s30 =	sor.u32 s11, s26;
	[dreg:$0x8] =	wrdreg s25;
	s25 =	sadd.s32 s29, s28  }
0x22: {  	v1 =	vbroadcast v1, $0x0;
	v4 =	vshll.u32 v4, $0x7;
	v2 =	vshll.u32 v2, $0x7;
	s17 =	simm.s32 $0x0;
	[dreg:$0x9] =	wrdreg s25;
	s25 =	sshrl.u32 s30, $0x3  }
0x23: {  	v3 =	vshll.u32 v3, $0x7;
	v4 =	vand.u32 $0x300, v4;
	v5 =	vshll.u32 v5, $0x7;
	s1 =	simm.s32 $0x1DC00;
	[smem:$0x7FF] =	sst s17;
	s25 =	sadd.s32 s29, s25  }
0x24: {  	v6 =	vshll.u32 v6, $0x7;
	v2 =	vbroadcast v2, $0x0;
	v3 =	vbroadcast v3, $0x0;
	s28 =	simm.s32 $0x9;
	[dreg:$0xa] =	wrdreg s25;
	s25 =	sshrl.u32 s24, $0x3  }
0x25: {  	v7 =	vshll.u32 v7, $0x7;
	v4 =	vbroadcast v4, $0x0;
	v5 =	vbroadcast v5, $0x0;
	s30 =	simm.s32 $0x400;
	s26 =	sadd.s32 s29, s25;
	s29 =	sor.u32 $0x80, s2  }
0x26: {  	v6 =	vbroadcast v6, $0x0;
	v7 =	vbroadcast v7, $0x0;
	s25 =	simm.s32 $0x7;
	[dreg:$0xc] =	wrdreg s26;
	s26 =	simm.s32 $0x8  }
0x27: {  	_ =	strace $0x80000047;
	[dreg:$0xd] =	wrdreg s0;
	s0 =	simm.s32 $0x80  }
.LBB2_1:
0x28: {  	s18 =	rddreg [dreg:$0x4];
	s20 =	simm.s32 $0x1CC00;
	s24 =	sadd.s32 $0x0, s3  }
0x29: {  	[tilespmem:s20], [sflag:$0x1] =	stream.linear.gather [hbm4b:s18+s17], $0x1000, $0x38;
	[tilespmem:$0x1FC00] =	vst v63  }
0x2a: {  	s22 =	smov.u32 s2;
	s18 =	simm.s32 $0x80;
	s20 =	sadd.s32 $0x400, s2  }
.LBB2_2:
0x2b: {  	[tilespmem:s22], [sflag:$0x2] =	stream.linear.gather [hbm4b:s24+s17], $0x80, $0x38;
	[tilespmem:$0x1FC00] =	vst v63  }
0x2c: {  	s24 =	smov.u32 s18;
	s22 =	smov.u32 s20;
	p0 =	sne.s32 s18, $0x3900  }
.Ltmp0:
0x2d: {  	s18 =	sadd.s32 $0x80, s18;
	(pc) =	sbr.rel @p0 .LBB2_2-.Ltmp0, $2  }
0x2e: {  	_ =	sdelay $0x2  }
0x2f: {  	s20 =	sadd.s32 $0x400, s20;
	s24 =	sadd.s32 s24, s3  }
0x30: {  	[tilespmem:s22], [sflag:$0x2] =	stream.linear.gather [hbm4b:s24+s17], $0x80, $0x38;
	[tilespmem:$0x1FC00] =	vst v63  }
0x31: {  	s18 =	simm.s32 $0x80  }
0x32: {  	s24 =	sadd.s32 $0x0, s4;
	s20 =	sadd.s32 $0x400, s29;
	s22 =	smov.u32 s29  }
.LBB2_4:
0x33: {  	[tilespmem:s22], [sflag:$0x3] =	stream.linear.gather [hbm4b:s24+s17], $0x80, $0x38;
	[tilespmem:$0x1FC00] =	vst v63  }
0x34: {  	s24 =	smov.u32 s18;
	s22 =	smov.u32 s20;
	p0 =	sne.s32 s18, $0x3900  }
.Ltmp1:
0x35: {  	s18 =	sadd.s32 $0x80, s18;
	(pc) =	sbr.rel @p0 .LBB2_4-.Ltmp1, $2  }
0x36: {  	_ =	sdelay $0x2  }
0x37: {  	s20 =	sadd.s32 $0x400, s20;
	s24 =	sadd.s32 s24, s4  }
0x38: {  	[tilespmem:s22], [sflag:$0x3] =	stream.linear.gather [hbm4b:s24+s17], $0x80, $0x38;
	[tilespmem:$0x1FC00] =	vst v63  }
0x39: {  	s18 =	simm.s32 $0x80  }
0x3a: {  	s24 =	sadd.s32 $0x0, s8;
	s20 =	sadd.s32 $0x400, s5;
	s22 =	smov.u32 s5  }
.LBB2_6:
0x3b: {  	[tilespmem:s22], [sflag:$0x4] =	stream.linear.gather [hbm4b:s24+s17], $0x80, $0x38;
	[tilespmem:$0x1FC00] =	vst v63  }
0x3c: {  	s24 =	smov.u32 s18;
	s22 =	smov.u32 s20;
	p0 =	sne.s32 s18, $0x3900  }
.Ltmp2:
0x3d: {  	s18 =	sadd.s32 $0x80, s18;
	(pc) =	sbr.rel @p0 .LBB2_6-.Ltmp2, $2  }
0x3e: {  	_ =	sdelay $0x2  }
0x3f: {  	s20 =	sadd.s32 $0x400, s20;
	s24 =	sadd.s32 s24, s8  }
0x40: {  	[tilespmem:s22], [sflag:$0x4] =	stream.linear.gather [hbm4b:s24+s17], $0x80, $0x38;
	[tilespmem:$0x1FC00] =	vst v63  }
0x41: {  	s18 =	simm.s32 $0x80  }
0x42: {  	s24 =	sadd.s32 $0x0, s9;
	s20 =	sadd.s32 $0x400, s6;
	s22 =	smov.u32 s6  }
.LBB2_8:
0x43: {  	[tilespmem:s22], [sflag:$0x5] =	stream.linear.gather [hbm4b:s24+s17], $0x80, $0x38;
	[tilespmem:$0x1FC00] =	vst v63  }
0x44: {  	s24 =	smov.u32 s18;
	s22 =	smov.u32 s20;
	p0 =	sne.s32 s18, $0x3900  }
.Ltmp3:
0x45: {  	s18 =	sadd.s32 $0x80, s18;
	(pc) =	sbr.rel @p0 .LBB2_8-.Ltmp3, $2  }
0x46: {  	_ =	sdelay $0x2  }
0x47: {  	s20 =	sadd.s32 $0x400, s20;
	s24 =	sadd.s32 s24, s9  }
0x48: {  	[tilespmem:s22], [sflag:$0x5] =	stream.linear.gather [hbm4b:s24+s17], $0x80, $0x38;
	[tilespmem:$0x1FC00] =	vst v63  }
0x49: {  	s18 =	simm.s32 $0x80  }
0x4a: {  	s24 =	sadd.s32 $0x0, s10;
	s20 =	sadd.s32 $0x400, s7;
	s22 =	smov.u32 s7  }
.LBB2_10:
0x4b: {  	[tilespmem:s22], [sflag:$0x6] =	stream.linear.gather [hbm4b:s24+s17], $0x80, $0x38;
	[tilespmem:$0x1FC00] =	vst v63  }
0x4c: {  	s24 =	smov.u32 s18;
	s22 =	smov.u32 s20;
	p0 =	sne.s32 s18, $0x3900  }
.Ltmp4:
0x4d: {  	s18 =	sadd.s32 $0x80, s18;
	(pc) =	sbr.rel @p0 .LBB2_10-.Ltmp4, $2  }
0x4e: {  	_ =	sdelay $0x2  }
0x4f: {  	s20 =	sadd.s32 $0x400, s20;
	s24 =	sadd.s32 s24, s10  }
0x50: {  	[tilespmem:s22], [sflag:$0x6] =	stream.linear.gather [hbm4b:s24+s17], $0x80, $0x38;
	[tilespmem:$0x1FC00] =	vst v63  }
0x51: {  	s18 =	simm.s32 $0x80  }
0x52: {  	s24 =	sadd.s32 $0x0, s14;
	s20 =	sadd.s32 $0x400, s11;
	s22 =	smov.u32 s11  }
.LBB2_12:
0x53: {  	[tilespmem:s22], [sflag:$0x7] =	stream.linear.gather [hbm4b:s24+s17], $0x80, $0x38;
	[tilespmem:$0x1FC00] =	vst v63  }
0x54: {  	s24 =	smov.u32 s18;
	s22 =	smov.u32 s20;
	p0 =	sne.s32 s18, $0x3900  }
.Ltmp5:
0x55: {  	s18 =	sadd.s32 $0x80, s18;
	(pc) =	sbr.rel @p0 .LBB2_12-.Ltmp5, $2  }
0x56: {  	_ =	sdelay $0x2  }
0x57: {  	s20 =	sadd.s32 $0x400, s20;
	s24 =	sadd.s32 s24, s14  }
0x58: {  	[tilespmem:s22], [sflag:$0x7] =	stream.linear.gather [hbm4b:s24+s17], $0x80, $0x38;
	[tilespmem:$0x1FC00] =	vst v63  }
0x59: {  	s18 =	simm.s32 $0x80  }
0x5a: {  	s24 =	sadd.s32 $0x0, s15;
	s20 =	sadd.s32 $0x400, s12;
	s22 =	smov.u32 s12  }
.LBB2_14:
0x5b: {  	[tilespmem:s22], [sflag:$0x8] =	stream.linear.gather [hbm4b:s24+s17], $0x80, $0x38;
	[tilespmem:$0x1FC00] =	vst v63  }
0x5c: {  	s24 =	smov.u32 s18;
	s22 =	smov.u32 s20;
	p0 =	sne.s32 s18, $0x3900  }
.Ltmp6:
0x5d: {  	s18 =	sadd.s32 $0x80, s18;
	(pc) =	sbr.rel @p0 .LBB2_14-.Ltmp6, $2  }
0x5e: {  	_ =	sdelay $0x2  }
0x5f: {  	s20 =	sadd.s32 $0x400, s20;
	s24 =	sadd.s32 s24, s15  }
0x60: {  	[tilespmem:s22], [sflag:$0x8] =	stream.linear.gather [hbm4b:s24+s17], $0x80, $0x38;
	[tilespmem:$0x1FC00] =	vst v63  }
0x61: {  	s18 =	simm.s32 $0x80  }
0x62: {  	s24 =	sadd.s32 $0x0, s16;
	s20 =	sadd.s32 $0x400, s13;
	s22 =	smov.u32 s13  }
.LBB2_16:
0x63: {  	[tilespmem:s22], [sflag:$0x9] =	stream.linear.gather [hbm4b:s24+s17], $0x80, $0x38;
	[tilespmem:$0x1FC00] =	vst v63  }
0x64: {  	s24 =	smov.u32 s18;
	s22 =	smov.u32 s20;
	p0 =	sne.s32 s18, $0x3900  }
.Ltmp7:
0x65: {  	s18 =	sadd.s32 $0x80, s18;
	(pc) =	sbr.rel @p0 .LBB2_16-.Ltmp7, $2  }
0x66: {  	_ =	sdelay $0x2  }
0x67: {  	s20 =	sadd.s32 $0x400, s20;
	s24 =	sadd.s32 s24, s16  }
0x68: {  	[tilespmem:s22], [sflag:$0x9] =	stream.linear.gather [hbm4b:s24+s17], $0x80, $0x38;
	[tilespmem:$0x1FC00] =	vst v63  }
0x69: {  	s18 =	simm.s32 $0x1  }
0x6a: {  	_ =	swait.ge [sflag:s18], $0x1000  }
0x6b: {  	[sflag:s18] =	ssyncset.done $0x0  }
0x6c: {  	s20 =	simm.s32 $0x2;
	[sflag:s18] =	ssyncadd.s32 $0xFFFFF000  }
0x6d: {  	_ =	swait.ge [sflag:s20], $0x3980  }
0x6e: {  	[sflag:s20] =	ssyncset.done $0x0  }
0x6f: {  	s22 =	simm.s32 $0x1CC40;
	[sflag:s20] =	ssyncadd.s32 $0xFFFFC680  }
0x70: {  	v8 =	vld [tilespmem:s22+$0x30]  }
0x71: {  	v9 =	vld [tilespmem:s22+$0xFFFFFFD0]  }
0x72: {  	v11 =	vld [tilespmem:s22+$0xFFFFFFF0]  }
0x73: {  	v12 =	vld [tilespmem:s22+$0x0]  }
0x74: {  	v13 =	vld [tilespmem:s22+$0x10]  }
0x75: {  	v15 =	vld [tilespmem:s22+$0x20]  }
0x76: {  	v17 =	vld [tilespmem:s22+$0xFFFFFFC0]  }
0x77: {  	v14 =	vshll.u32 v8, $0x3;
	v8 =	vand.u32 $0x7F, v8  }
0x78: {  	v16 =	vshll.u32 v9, $0x3;
	v18 =	vshll.u32 v11, $0x3;
	v14 =	vand.u32 $0xFFFFFC00, v14  }
0x79: {  	v10 =	vld [tilespmem:s22+$0xFFFFFFE0];
	v9 =	vand.u32 $0x7F, v9;
	v19 =	vshll.u32 v12, $0x3;
	v8 =	vor.u32 v14, v8  }
0x7a: {  	v20 =	vshll.u32 v13, $0x3;
	v11 =	vand.u32 $0x7F, v11;
	v8 =	vor.u32 v0, v8  }
0x7b: {  	v21 =	vshll.u32 v15, $0x3;
	v22 =	vshll.u32 v17, $0x3;
	v17 =	vand.u32 $0x7F, v17  }
0x7c: {  	s24 =	simm.s32 $0x1CCC0;
	v18 =	vand.u32 $0xFFFFFC00, v18;
	v19 =	vand.u32 $0xFFFFFC00, v19;
	v20 =	vand.u32 $0xFFFFFC00, v20  }
0x7d: {  	v21 =	vand.u32 $0xFFFFFC00, v21;
	v14 =	vand.u32 $0xFFFFFC00, v16;
	v11 =	vor.u32 v18, v11;
	v18 =	vld [tilespmem:s24+$0xFFFFFFF0]  }
0x7e: {  	v16 =	vshll.u32 v10, $0x3;
	v9 =	vor.u32 v14, v9;
	v14 =	vand.u32 $0x7F, v15;
	v15 =	vld [tilespmem:s24+$0xFFFFFFD0]  }
0x7f: {  	v22 =	vand.u32 $0xFFFFFC00, v22;
	v10 =	vand.u32 $0x7F, v10;
	v16 =	vand.u32 $0xFFFFFC00, v16;
	v23 =	vld.idx.msk [tilespmem:v8+s17+$0x0], $0xffff  }
0x80: {  	v8 =	vand.u32 $0x7F, v12;
	v12 =	vand.u32 $0x7F, v13;
	v13 =	vor.u32 v22, v17;
	v17 =	vld [tilespmem:s24+$0x30]  }
0x81: {  	v25 =	vld [tilespmem:s24+$0x20];
	v10 =	vor.u32 v16, v10;
	v14 =	vor.u32 v21, v14;
	v9 =	vor.u32 v0, v9  }
0x82: {  	v16 =	vld [tilespmem:s24+$0xFFFFFFE0];
	v10 =	vor.u32 v0, v10;
	v24 =	vor.u32 v0, v14;
	v32 =	vand.u32 $0x7F, v18  }
0x83: {  	v21 =	vld [tilespmem:s24+$0xFFFFFFC0];
	v14 =	vshll.u32 v15, $0x3;
	v8 =	vor.u32 v19, v8;
	v13 =	vor.u32 v0, v13  }
0x84: {  	v15 =	vand.u32 $0x7F, v15;
	v12 =	vor.u32 v20, v12;
	v20 =	vld [tilespmem:s24+$0x0];
	v8 =	vor.u32 v0, v8  }
0x85: {  	v19 =	vor.u32 v0, v11;
	v22 =	vor.u32 v0, v12;
	v12 =	vld [tilespmem:s24+$0x10];
	v11 =	vshll.u32 v17, $0x3  }
0x86: {  	v26 =	vand.u32 $0xFFFFFC00, v14;
	v17 =	vand.u32 $0x7F, v17;
	v11 =	vand.u32 $0xFFFFFC00, v11  }
0x87: {  	v14 =	vshll.u32 v16, $0x3;
	v30 =	vand.u32 $0x7F, v16;
	v10 =	vld.idx.msk [tilespmem:v10+s17+$0x0], $0xffff;
	v11 =	vor.u32 v11, v17  }
0x88: {  	v27 =	vand.u32 $0xFFFFFC00, v14;
	v14 =	vshll.u32 v18, $0x3;
	v13 =	vld.idx.msk [tilespmem:v13+s17+$0x0], $0xffff;
	v28 =	vor.u32 v0, v11  }
0x89: {  	v16 =	vshll.u32 v25, $0x3;
	v18 =	vand.u32 $0x7F, v21;
	v29 =	vand.u32 $0xFFFFFC00, v14;
	v8 =	vld.idx.msk [tilespmem:v8+s17+$0x0], $0xffff  }
0x8a: {  	v14 =	vshll.u32 v20, $0x3;
	v17 =	vshll.u32 v21, $0x3;
	v11 =	vld.idx.msk [tilespmem:v9+s17+$0x0], $0xffff;
	v9 =	vshll.u32 v12, $0x3  }
0x8b: {  	v31 =	vand.u32 $0xFFFFFC00, v14;
	v14 =	vand.u32 $0xFFFFFC00, v9;
	v9 =	vld.idx.msk [tilespmem:v19+s17+$0x0], $0xffff;
	v19 =	vand.u32 $0xFFFFFC00, v17  }
0x8c: {  	s24 =	simm.s32 $0x1DC40;
	v16 =	vand.u32 $0xFFFFFC00, v16;
	v21 =	vor.u32 v19, v18;
	v19 =	vor.u32 v26, v15;
	v15 =	vld.idx.msk [tilespmem:v24+s17+$0x0], $0xffff  }
0x8d: {  	[tilespmem:s24+$0x30] =	vst v23;
	v23 =	vor.u32 v27, v30;
	v20 =	vand.u32 $0x7F, v20;
	v17 =	vand.u32 $0x7F, v12;
	v12 =	vld.idx.msk [tilespmem:v28+s17+$0x0], $0xffff  }
0x8e: {  	s18 =	simm.s32 $0x1DC40;
	s20 =	simm.s32 $0x8;
	s22 =	simm.s32 $0x1CD40;
	v20 =	vor.u32 v31, v20;
	v18 =	vand.u32 $0x7F, v25;
	[tilespmem:s24+$0xFFFFFFC0] =	vst v13;
	v13 =	vld.idx.msk [tilespmem:v22+s17+$0x0], $0xffff;
	v22 =	vor.u32 v29, v32  }
.LBB2_18:
0x8f: {  	v24 =	vld [tilespmem:s22+$0x30];
	s20 =	sadd.s32 $0x8, s20;
	v21 =	vor.u32 v0, v21;
	v14 =	vor.u32 v14, v17;
	v16 =	vor.u32 v16, v18;
	[tilespmem:s24+$0xFFFFFFD0] =	vst v11  }
0x90: {  	v17 =	vor.u32 v0, v19;
	v18 =	vor.u32 v0, v23;
	v19 =	vor.u32 v0, v22;
	v11 =	vld [tilespmem:s22+$0xFFFFFFD0];
	p0 =	slt.u32 s20, $0xF8;
	[tilespmem:s24+$0xFFFFFFE0] =	vst v10  }
0x91: {  	v20 =	vor.u32 v0, v20;
	v22 =	vor.u32 v0, v14;
	v25 =	vor.u32 v0, v16;
	s24 =	sadd.s32 $0x80, s24;
	v10 =	vld [tilespmem:s22+$0xFFFFFFE0];
	[tilespmem:s18+$0xFFFFFFF0] =	vst v9  }
0x92: {  	v9 =	vld [tilespmem:s22+$0xFFFFFFF0];
	[tilespmem:s24+$0x30] =	vst v12  }
0x93: {  	v12 =	vld [tilespmem:s22+$0x0];
	[tilespmem:s18+$0x0] =	vst v8  }
0x94: {  	v23 =	vld [tilespmem:s22+$0x10];
	v8 =	vshll.u32 v24, $0x3;
	[tilespmem:s18+$0x10] =	vst v13  }
0x95: {  	v14 =	vand.u32 $0x7F, v24;
	v13 =	vshll.u32 v11, $0x3;
	v26 =	vld [tilespmem:s22+$0x20];
	v8 =	vand.u32 $0xFFFFFC00, v8;
	[tilespmem:s18+$0x20] =	vst v15;
	s18 =	smov.u32 s24  }
0x96: {  	v15 =	vld [tilespmem:s22+$0xFFFFFFC0];
	v13 =	vand.u32 $0xFFFFFC00, v13;
	v16 =	vshll.u32 v10, $0x3;
	v8 =	vor.u32 v8, v14  }
0x97: {  	v24 =	vand.u32 $0xFFFFFC00, v16;
	v14 =	vshll.u32 v9, $0x3;
	v27 =	vor.u32 v0, v8;
	v28 =	vld.idx.msk [tilespmem:v21+s17+$0x0], $0xffff  }
0x98: {  	v29 =	vand.u32 $0x7F, v11;
	v30 =	vand.u32 $0xFFFFFC00, v14;
	v8 =	vshll.u32 v12, $0x3;
	v11 =	vld.idx.msk [tilespmem:v17+s17+$0x0], $0xffff  }
0x99: {  	v31 =	vand.u32 $0x7F, v10;
	v32 =	vand.u32 $0xFFFFFC00, v8;
	v8 =	vshll.u32 v23, $0x3;
	v10 =	vld.idx.msk [tilespmem:v18+s17+$0x0], $0xffff  }
.Ltmp8:
0x9a: {  	v33 =	vand.u32 $0x7F, v9;
	v14 =	vand.u32 $0xFFFFFC00, v8;
	v8 =	vshll.u32 v26, $0x3;
	v9 =	vld.idx.msk [tilespmem:v19+s17+$0x0], $0xffff;
	(pc) =	sbr.rel @p0 .LBB2_18-.Ltmp8, $4  }
0x9b: {  	v18 =	vand.u32 $0x7F, v15;
	v15 =	vshll.u32 v15, $0x3;
	v16 =	vand.u32 $0xFFFFFC00, v8;
	v8 =	vld.idx.msk [tilespmem:v20+s17+$0x0], $0xffff  }
0x9c: {  	v17 =	vand.u32 $0x7F, v23;
	v20 =	vand.u32 $0x7F, v12;
	v15 =	vand.u32 $0xFFFFFC00, v15;
	v12 =	vld.idx.msk [tilespmem:v27+s17+$0x0], $0xffff  }
0x9d: {  	v19 =	vor.u32 v13, v29;
	v21 =	vor.u32 v15, v18;
	v18 =	vand.u32 $0x7F, v26;
	[tilespmem:s24+$0xFFFFFFC0] =	vst v28;
	v13 =	vld.idx.msk [tilespmem:v22+s17+$0x0], $0xffff  }
0x9e: {  	s22 =	sadd.s32 $0x80, s22;
	v23 =	vor.u32 v24, v31;
	v20 =	vor.u32 v32, v20;
	v22 =	vor.u32 v30, v33;
	v15 =	vld.idx.msk [tilespmem:v25+s17+$0x0], $0xffff  }
0x9f: {  	v21 =	vor.u32 v0, v21  }
0xa0: {  	v19 =	vor.u32 v0, v19  }
0xa1: {  	v23 =	vor.u32 v0, v23  }
0xa2: {  	[tilespmem:s24+$0xFFFFFFD0] =	vst v11;
	v11 =	vor.u32 v0, v22  }
0xa3: {  	[tilespmem:s24+$0xFFFFFFE0] =	vst v10;
	v10 =	vor.u32 v0, v20;
	v16 =	vor.u32 v16, v18  }
0xa4: {  	v14 =	vor.u32 v14, v17;
	[tilespmem:s18+$0xFFFFFFF0] =	vst v9;
	s20 =	sadd.s32 $0x80, s24;
	v16 =	vor.u32 v0, v16;
	v9 =	vld.idx.msk [tilespmem:v21+s17+$0x0], $0xffff  }
0xa5: {  	v14 =	vor.u32 v0, v14;
	[tilespmem:s20+$0x30] =	vst v12;
	v12 =	vld.idx.msk [tilespmem:v19+s17+$0x0], $0xffff  }
0xa6: {  	[tilespmem:s18+$0x0] =	vst v8;
	v8 =	vld.idx.msk [tilespmem:v23+s17+$0x0], $0xffff  }
0xa7: {  	[tilespmem:s18+$0x10] =	vst v13;
	v11 =	vld.idx.msk [tilespmem:v11+s17+$0x0], $0xffff  }
0xa8: {  	[tilespmem:s18+$0x20] =	vst v15;
	v10 =	vld.idx.msk [tilespmem:v10+s17+$0x0], $0xffff  }
0xa9: {  	v13 =	vld.idx.msk [tilespmem:v16+s17+$0x0], $0xffff;
	[tilespmem:s20+$0xFFFFFFC0] =	vst v9  }
0xaa: {  	v9 =	vld.idx.msk [tilespmem:v14+s17+$0x0], $0xffff;
	[tilespmem:s20+$0xFFFFFFD0] =	vst v12  }
0xab: {  	[tilespmem:s20+$0xFFFFFFE0] =	vst v8  }
0xac: {  	[tilespmem:s20+$0xFFFFFFF0] =	vst v11  }
0xad: {  	[tilespmem:s20+$0x0] =	vst v10  }
0xae: {  	[tilespmem:s20+$0x20] =	vst v13  }
0xaf: {  	[tilespmem:s20+$0x10] =	vst v9  }
0xb0: {  	s20 =	simm.s32 $0x3;
	s18 =	rddreg [dreg:$0x5]  }
0xb1: {  	[hbm4b:s18+s0] =	stream.strided.scatter [tilespmem:s1], [sflag:$0xA], $0x1000, s30, s0, $0x38;
	[tilespmem:$0x1FC00] =	vst v63  }
0xb2: {  	_ =	swait.ge [sflag:s20], $0x3980  }
0xb3: {  	[sflag:s20] =	ssyncset.done $0x0  }
0xb4: {  	s22 =	simm.s32 $0x1CC40;
	[sflag:s20] =	ssyncadd.s32 $0xFFFFC680  }
0xb5: {  	v8 =	vld [tilespmem:s22+$0x30]  }
0xb6: {  	v9 =	vld [tilespmem:s22+$0xFFFFFFD0]  }
0xb7: {  	v11 =	vld [tilespmem:s22+$0xFFFFFFF0]  }
0xb8: {  	v12 =	vld [tilespmem:s22+$0x0]  }
0xb9: {  	v13 =	vld [tilespmem:s22+$0x10]  }
0xba: {  	v15 =	vld [tilespmem:s22+$0x20]  }
0xbb: {  	v17 =	vld [tilespmem:s22+$0xFFFFFFC0]  }
0xbc: {  	v14 =	vshll.u32 v8, $0x3;
	v8 =	vand.u32 $0x7F, v8  }
0xbd: {  	v16 =	vshll.u32 v9, $0x3;
	v18 =	vshll.u32 v11, $0x3;
	v14 =	vand.u32 $0xFFFFFC00, v14  }
0xbe: {  	v10 =	vld [tilespmem:s22+$0xFFFFFFE0];
	v9 =	vand.u32 $0x7F, v9;
	v19 =	vshll.u32 v12, $0x3;
	v8 =	vor.u32 v14, v8  }
0xbf: {  	v20 =	vshll.u32 v13, $0x3;
	v11 =	vand.u32 $0x7F, v11;
	v8 =	vor.u32 v1, v8  }
0xc0: {  	v21 =	vshll.u32 v15, $0x3;
	v22 =	vshll.u32 v17, $0x3;
	v17 =	vand.u32 $0x7F, v17  }
0xc1: {  	s24 =	simm.s32 $0x1CCC0;
	v18 =	vand.u32 $0xFFFFFC00, v18;
	v19 =	vand.u32 $0xFFFFFC00, v19;
	v20 =	vand.u32 $0xFFFFFC00, v20  }
0xc2: {  	v21 =	vand.u32 $0xFFFFFC00, v21;
	v14 =	vand.u32 $0xFFFFFC00, v16;
	v11 =	vor.u32 v18, v11;
	v18 =	vld [tilespmem:s24+$0xFFFFFFF0]  }
0xc3: {  	v16 =	vshll.u32 v10, $0x3;
	v9 =	vor.u32 v14, v9;
	v14 =	vand.u32 $0x7F, v15;
	v15 =	vld [tilespmem:s24+$0xFFFFFFD0]  }
0xc4: {  	v22 =	vand.u32 $0xFFFFFC00, v22;
	v10 =	vand.u32 $0x7F, v10;
	v16 =	vand.u32 $0xFFFFFC00, v16;
	v23 =	vld.idx.msk [tilespmem:v8+s17+$0x0], $0xffff  }
0xc5: {  	v8 =	vand.u32 $0x7F, v12;
	v12 =	vand.u32 $0x7F, v13;
	v13 =	vor.u32 v22, v17;
	v17 =	vld [tilespmem:s24+$0x30]  }
0xc6: {  	v25 =	vld [tilespmem:s24+$0x20];
	v10 =	vor.u32 v16, v10;
	v14 =	vor.u32 v21, v14;
	v9 =	vor.u32 v1, v9  }
0xc7: {  	v16 =	vld [tilespmem:s24+$0xFFFFFFE0];
	v10 =	vor.u32 v1, v10;
	v24 =	vor.u32 v1, v14;
	v32 =	vand.u32 $0x7F, v18  }
0xc8: {  	v21 =	vld [tilespmem:s24+$0xFFFFFFC0];
	v14 =	vshll.u32 v15, $0x3;
	v8 =	vor.u32 v19, v8;
	v13 =	vor.u32 v1, v13  }
0xc9: {  	v15 =	vand.u32 $0x7F, v15;
	v12 =	vor.u32 v20, v12;
	v20 =	vld [tilespmem:s24+$0x0];
	v8 =	vor.u32 v1, v8  }
0xca: {  	v19 =	vor.u32 v1, v11;
	v22 =	vor.u32 v1, v12;
	v12 =	vld [tilespmem:s24+$0x10];
	v11 =	vshll.u32 v17, $0x3  }
0xcb: {  	v26 =	vand.u32 $0xFFFFFC00, v14;
	v17 =	vand.u32 $0x7F, v17;
	v11 =	vand.u32 $0xFFFFFC00, v11  }
0xcc: {  	v14 =	vshll.u32 v16, $0x3;
	v30 =	vand.u32 $0x7F, v16;
	v10 =	vld.idx.msk [tilespmem:v10+s17+$0x0], $0xffff;
	v11 =	vor.u32 v11, v17  }
0xcd: {  	v27 =	vand.u32 $0xFFFFFC00, v14;
	v14 =	vshll.u32 v18, $0x3;
	v13 =	vld.idx.msk [tilespmem:v13+s17+$0x0], $0xffff;
	v28 =	vor.u32 v1, v11  }
0xce: {  	v16 =	vshll.u32 v25, $0x3;
	v18 =	vand.u32 $0x7F, v21;
	v29 =	vand.u32 $0xFFFFFC00, v14;
	v8 =	vld.idx.msk [tilespmem:v8+s17+$0x0], $0xffff  }
0xcf: {  	v14 =	vshll.u32 v20, $0x3;
	v17 =	vshll.u32 v21, $0x3;
	v11 =	vld.idx.msk [tilespmem:v9+s17+$0x0], $0xffff;
	v9 =	vshll.u32 v12, $0x3  }
0xd0: {  	v31 =	vand.u32 $0xFFFFFC00, v14;
	v14 =	vand.u32 $0xFFFFFC00, v9;
	v9 =	vld.idx.msk [tilespmem:v19+s17+$0x0], $0xffff;
	v19 =	vand.u32 $0xFFFFFC00, v17  }
0xd1: {  	s24 =	simm.s32 $0x1EC70;
	v16 =	vand.u32 $0xFFFFFC00, v16;
	v21 =	vor.u32 v19, v18;
	v19 =	vor.u32 v26, v15;
	v15 =	vld.idx.msk [tilespmem:v24+s17+$0x0], $0xffff  }
0xd2: {  	[tilespmem:s24+$0x0] =	vst v23;
	v23 =	vor.u32 v27, v30;
	v20 =	vand.u32 $0x7F, v20;
	v17 =	vand.u32 $0x7F, v12;
	v12 =	vld.idx.msk [tilespmem:v28+s17+$0x0], $0xffff  }
0xd3: {  	s18 =	simm.s32 $0x1EC70;
	s20 =	simm.s32 $0x8;
	s22 =	simm.s32 $0x1CD40;
	v20 =	vor.u32 v31, v20;
	v18 =	vand.u32 $0x7F, v25;
	[tilespmem:s24+$0xFFFFFF90] =	vst v13;
	v13 =	vld.idx.msk [tilespmem:v22+s17+$0x0], $0xffff;
	v22 =	vor.u32 v29, v32  }
.LBB2_20:
0xd4: {  	v24 =	vld [tilespmem:s22+$0x30];
	s20 =	sadd.s32 $0x8, s20;
	v21 =	vor.u32 v1, v21;
	v14 =	vor.u32 v14, v17;
	v16 =	vor.u32 v16, v18;
	[tilespmem:s24+$0xFFFFFFA0] =	vst v11  }
0xd5: {  	v17 =	vor.u32 v1, v19;
	v18 =	vor.u32 v1, v23;
	v19 =	vor.u32 v1, v22;
	v11 =	vld [tilespmem:s22+$0xFFFFFFD0];
	p0 =	slt.u32 s20, $0xF8;
	[tilespmem:s24+$0xFFFFFFB0] =	vst v10  }
0xd6: {  	v20 =	vor.u32 v1, v20;
	v22 =	vor.u32 v1, v14;
	v25 =	vor.u32 v1, v16;
	s24 =	sadd.s32 $0x80, s24;
	v10 =	vld [tilespmem:s22+$0xFFFFFFE0];
	[tilespmem:s18+$0xFFFFFFC0] =	vst v9  }
0xd7: {  	v9 =	vld [tilespmem:s22+$0xFFFFFFF0];
	[tilespmem:s24+$0x0] =	vst v12  }
0xd8: {  	v12 =	vld [tilespmem:s22+$0x0];
	[tilespmem:s18+$0xFFFFFFD0] =	vst v8  }
0xd9: {  	v23 =	vld [tilespmem:s22+$0x10];
	v8 =	vshll.u32 v24, $0x3;
	[tilespmem:s18+$0xFFFFFFE0] =	vst v13  }
0xda: {  	v14 =	vand.u32 $0x7F, v24;
	v13 =	vshll.u32 v11, $0x3;
	v26 =	vld [tilespmem:s22+$0x20];
	v8 =	vand.u32 $0xFFFFFC00, v8;
	[tilespmem:s18+$0xFFFFFFF0] =	vst v15;
	s18 =	smov.u32 s24  }
0xdb: {  	v15 =	vld [tilespmem:s22+$0xFFFFFFC0];
	v13 =	vand.u32 $0xFFFFFC00, v13;
	v16 =	vshll.u32 v10, $0x3;
	v8 =	vor.u32 v8, v14  }
0xdc: {  	v24 =	vand.u32 $0xFFFFFC00, v16;
	v14 =	vshll.u32 v9, $0x3;
	v27 =	vor.u32 v1, v8;
	v28 =	vld.idx.msk [tilespmem:v21+s17+$0x0], $0xffff  }
0xdd: {  	v29 =	vand.u32 $0x7F, v11;
	v30 =	vand.u32 $0xFFFFFC00, v14;
	v8 =	vshll.u32 v12, $0x3;
	v11 =	vld.idx.msk [tilespmem:v17+s17+$0x0], $0xffff  }
0xde: {  	v31 =	vand.u32 $0x7F, v10;
	v32 =	vand.u32 $0xFFFFFC00, v8;
	v8 =	vshll.u32 v23, $0x3;
	v10 =	vld.idx.msk [tilespmem:v18+s17+$0x0], $0xffff  }
.Ltmp9:
0xdf: {  	v33 =	vand.u32 $0x7F, v9;
	v14 =	vand.u32 $0xFFFFFC00, v8;
	v8 =	vshll.u32 v26, $0x3;
	v9 =	vld.idx.msk [tilespmem:v19+s17+$0x0], $0xffff;
	(pc) =	sbr.rel @p0 .LBB2_20-.Ltmp9, $4  }
0xe0: {  	v18 =	vand.u32 $0x7F, v15;
	v15 =	vshll.u32 v15, $0x3;
	v16 =	vand.u32 $0xFFFFFC00, v8;
	v8 =	vld.idx.msk [tilespmem:v20+s17+$0x0], $0xffff  }
0xe1: {  	v17 =	vand.u32 $0x7F, v23;
	v20 =	vand.u32 $0x7F, v12;
	v15 =	vand.u32 $0xFFFFFC00, v15;
	v12 =	vld.idx.msk [tilespmem:v27+s17+$0x0], $0xffff  }
0xe2: {  	v19 =	vor.u32 v13, v29;
	v21 =	vor.u32 v15, v18;
	v18 =	vand.u32 $0x7F, v26;
	[tilespmem:s24+$0xFFFFFF90] =	vst v28;
	v13 =	vld.idx.msk [tilespmem:v22+s17+$0x0], $0xffff  }
0xe3: {  	s22 =	sadd.s32 $0x80, s22;
	v23 =	vor.u32 v24, v31;
	v20 =	vor.u32 v32, v20;
	v22 =	vor.u32 v30, v33;
	v15 =	vld.idx.msk [tilespmem:v25+s17+$0x0], $0xffff  }
0xe4: {  	v21 =	vor.u32 v1, v21  }
0xe5: {  	v19 =	vor.u32 v1, v19  }
0xe6: {  	v23 =	vor.u32 v1, v23  }
0xe7: {  	[tilespmem:s24+$0xFFFFFFA0] =	vst v11;
	v11 =	vor.u32 v1, v22  }
0xe8: {  	[tilespmem:s24+$0xFFFFFFB0] =	vst v10;
	v10 =	vor.u32 v1, v20;
	v16 =	vor.u32 v16, v18  }
0xe9: {  	v14 =	vor.u32 v14, v17;
	[tilespmem:s18+$0xFFFFFFC0] =	vst v9;
	s20 =	sadd.s32 $0x80, s24;
	v16 =	vor.u32 v1, v16;
	v9 =	vld.idx.msk [tilespmem:v21+s17+$0x0], $0xffff  }
0xea: {  	v14 =	vor.u32 v1, v14;
	[tilespmem:s20+$0x0] =	vst v12;
	v12 =	vld.idx.msk [tilespmem:v19+s17+$0x0], $0xffff  }
0xeb: {  	[tilespmem:s18+$0xFFFFFFD0] =	vst v8;
	v8 =	vld.idx.msk [tilespmem:v23+s17+$0x0], $0xffff  }
0xec: {  	[tilespmem:s18+$0xFFFFFFE0] =	vst v13;
	v11 =	vld.idx.msk [tilespmem:v11+s17+$0x0], $0xffff  }
0xed: {  	[tilespmem:s18+$0xFFFFFFF0] =	vst v15;
	v10 =	vld.idx.msk [tilespmem:v10+s17+$0x0], $0xffff  }
0xee: {  	v13 =	vld.idx.msk [tilespmem:v16+s17+$0x0], $0xffff;
	[tilespmem:s20+$0xFFFFFF90] =	vst v9  }
0xef: {  	v9 =	vld.idx.msk [tilespmem:v14+s17+$0x0], $0xffff;
	[tilespmem:s20+$0xFFFFFFA0] =	vst v12  }
0xf0: {  	[tilespmem:s20+$0xFFFFFFB0] =	vst v8  }
0xf1: {  	[tilespmem:s20+$0xFFFFFFC0] =	vst v11  }
0xf2: {  	[tilespmem:s20+$0xFFFFFFD0] =	vst v10  }
0xf3: {  	[tilespmem:s20+$0xFFFFFFF0] =	vst v13  }
0xf4: {  	[tilespmem:s20+$0xFFFFFFE0] =	vst v9  }
0xf5: {  	s20 =	simm.s32 $0x4;
	s18 =	rddreg [dreg:$0x6]  }
0xf6: {  	[hbm4b:s18+s0] =	stream.strided.scatter [tilespmem:s19], [sflag:$0xA], $0x1000, s30, s0, $0x38;
	[tilespmem:$0x1FC00] =	vst v63  }
0xf7: {  	_ =	swait.ge [sflag:s20], $0x3980  }
0xf8: {  	[sflag:s20] =	ssyncset.done $0x0  }
0xf9: {  	[sflag:s20] =	ssyncadd.s32 $0xFFFFC680  }
0xfa: {  	_ =	swait.ge [sflag:s21], $0x1000  }
0xfb: {  	[sflag:s21] =	ssyncset.done $0x0  }
0xfc: {  	s22 =	simm.s32 $0x1CC40;
	[sflag:s21] =	ssyncadd.s32 $0xFFFFF000  }
0xfd: {  	v8 =	vld [tilespmem:s22+$0x30]  }
0xfe: {  	v9 =	vld [tilespmem:s22+$0xFFFFFFD0]  }
0xff: {  	v11 =	vld [tilespmem:s22+$0xFFFFFFF0]  }
0x100: {  	v12 =	vld [tilespmem:s22+$0x0]  }
0x101: {  	v13 =	vld [tilespmem:s22+$0x10]  }
0x102: {  	v15 =	vld [tilespmem:s22+$0x20]  }
0x103: {  	v17 =	vld [tilespmem:s22+$0xFFFFFFC0]  }
0x104: {  	v14 =	vshll.u32 v8, $0x3;
	v8 =	vand.u32 $0x7F, v8  }
0x105: {  	v16 =	vshll.u32 v9, $0x3;
	v18 =	vshll.u32 v11, $0x3;
	v14 =	vand.u32 $0xFFFFFC00, v14  }
0x106: {  	v10 =	vld [tilespmem:s22+$0xFFFFFFE0];
	v9 =	vand.u32 $0x7F, v9;
	v19 =	vshll.u32 v12, $0x3;
	v8 =	vor.u32 v14, v8  }
0x107: {  	v20 =	vshll.u32 v13, $0x3;
	v11 =	vand.u32 $0x7F, v11;
	v8 =	vor.u32 v2, v8  }
0x108: {  	v21 =	vshll.u32 v15, $0x3;
	v22 =	vshll.u32 v17, $0x3;
	v17 =	vand.u32 $0x7F, v17  }
0x109: {  	s24 =	simm.s32 $0x1CCC0;
	v18 =	vand.u32 $0xFFFFFC00, v18;
	v19 =	vand.u32 $0xFFFFFC00, v19;
	v20 =	vand.u32 $0xFFFFFC00, v20  }
0x10a: {  	v21 =	vand.u32 $0xFFFFFC00, v21;
	v14 =	vand.u32 $0xFFFFFC00, v16;
	v11 =	vor.u32 v18, v11;
	v18 =	vld [tilespmem:s24+$0xFFFFFFF0]  }
0x10b: {  	v16 =	vshll.u32 v10, $0x3;
	v9 =	vor.u32 v14, v9;
	v14 =	vand.u32 $0x7F, v15;
	v15 =	vld [tilespmem:s24+$0xFFFFFFD0]  }
0x10c: {  	v22 =	vand.u32 $0xFFFFFC00, v22;
	v10 =	vand.u32 $0x7F, v10;
	v16 =	vand.u32 $0xFFFFFC00, v16;
	v23 =	vld.idx.msk [tilespmem:v8+s17+$0x0], $0xffff  }
0x10d: {  	v8 =	vand.u32 $0x7F, v12;
	v12 =	vand.u32 $0x7F, v13;
	v13 =	vor.u32 v22, v17;
	v17 =	vld [tilespmem:s24+$0x30]  }
0x10e: {  	v25 =	vld [tilespmem:s24+$0x20];
	v10 =	vor.u32 v16, v10;
	v14 =	vor.u32 v21, v14;
	v9 =	vor.u32 v2, v9  }
0x10f: {  	v16 =	vld [tilespmem:s24+$0xFFFFFFE0];
	v10 =	vor.u32 v2, v10;
	v24 =	vor.u32 v2, v14;
	v32 =	vand.u32 $0x7F, v18  }
0x110: {  	v21 =	vld [tilespmem:s24+$0xFFFFFFC0];
	v14 =	vshll.u32 v15, $0x3;
	v8 =	vor.u32 v19, v8;
	v13 =	vor.u32 v2, v13  }
0x111: {  	v15 =	vand.u32 $0x7F, v15;
	v12 =	vor.u32 v20, v12;
	v20 =	vld [tilespmem:s24+$0x0];
	v8 =	vor.u32 v2, v8  }
0x112: {  	v19 =	vor.u32 v2, v11;
	v22 =	vor.u32 v2, v12;
	v12 =	vld [tilespmem:s24+$0x10];
	v11 =	vshll.u32 v17, $0x3  }
0x113: {  	v26 =	vand.u32 $0xFFFFFC00, v14;
	v17 =	vand.u32 $0x7F, v17;
	v11 =	vand.u32 $0xFFFFFC00, v11  }
0x114: {  	v14 =	vshll.u32 v16, $0x3;
	v30 =	vand.u32 $0x7F, v16;
	v10 =	vld.idx.msk [tilespmem:v10+s17+$0x0], $0xffff;
	v11 =	vor.u32 v11, v17  }
0x115: {  	v27 =	vand.u32 $0xFFFFFC00, v14;
	v14 =	vshll.u32 v18, $0x3;
	v13 =	vld.idx.msk [tilespmem:v13+s17+$0x0], $0xffff;
	v28 =	vor.u32 v2, v11  }
0x116: {  	v16 =	vshll.u32 v25, $0x3;
	v18 =	vand.u32 $0x7F, v21;
	v29 =	vand.u32 $0xFFFFFC00, v14;
	v8 =	vld.idx.msk [tilespmem:v8+s17+$0x0], $0xffff  }
0x117: {  	v14 =	vshll.u32 v20, $0x3;
	v17 =	vshll.u32 v21, $0x3;
	v11 =	vld.idx.msk [tilespmem:v9+s17+$0x0], $0xffff;
	v9 =	vshll.u32 v12, $0x3  }
0x118: {  	v31 =	vand.u32 $0xFFFFFC00, v14;
	v14 =	vand.u32 $0xFFFFFC00, v9;
	v9 =	vld.idx.msk [tilespmem:v19+s17+$0x0], $0xffff;
	v19 =	vand.u32 $0xFFFFFC00, v17  }
0x119: {  	s24 =	simm.s32 $0x1DC40;
	v16 =	vand.u32 $0xFFFFFC00, v16;
	v21 =	vor.u32 v19, v18;
	v19 =	vor.u32 v26, v15;
	v15 =	vld.idx.msk [tilespmem:v24+s17+$0x0], $0xffff  }
0x11a: {  	[tilespmem:s24+$0x30] =	vst v23;
	v23 =	vor.u32 v27, v30;
	v20 =	vand.u32 $0x7F, v20;
	v17 =	vand.u32 $0x7F, v12;
	v12 =	vld.idx.msk [tilespmem:v28+s17+$0x0], $0xffff  }
0x11b: {  	s18 =	simm.s32 $0x1DC40;
	s20 =	simm.s32 $0x8;
	s22 =	simm.s32 $0x1CD40;
	v20 =	vor.u32 v31, v20;
	v18 =	vand.u32 $0x7F, v25;
	[tilespmem:s24+$0xFFFFFFC0] =	vst v13;
	v13 =	vld.idx.msk [tilespmem:v22+s17+$0x0], $0xffff;
	v22 =	vor.u32 v29, v32  }
.LBB2_22:
0x11c: {  	v24 =	vld [tilespmem:s22+$0x30];
	s20 =	sadd.s32 $0x8, s20;
	v21 =	vor.u32 v2, v21;
	v14 =	vor.u32 v14, v17;
	v16 =	vor.u32 v16, v18;
	[tilespmem:s24+$0xFFFFFFD0] =	vst v11  }
0x11d: {  	v17 =	vor.u32 v2, v19;
	v18 =	vor.u32 v2, v23;
	v19 =	vor.u32 v2, v22;
	v11 =	vld [tilespmem:s22+$0xFFFFFFD0];
	p0 =	slt.u32 s20, $0xF8;
	[tilespmem:s24+$0xFFFFFFE0] =	vst v10  }
0x11e: {  	v20 =	vor.u32 v2, v20;
	v22 =	vor.u32 v2, v14;
	v25 =	vor.u32 v2, v16;
	s24 =	sadd.s32 $0x80, s24;
	v10 =	vld [tilespmem:s22+$0xFFFFFFE0];
	[tilespmem:s18+$0xFFFFFFF0] =	vst v9  }
0x11f: {  	v9 =	vld [tilespmem:s22+$0xFFFFFFF0];
	[tilespmem:s24+$0x30] =	vst v12  }
0x120: {  	v12 =	vld [tilespmem:s22+$0x0];
	[tilespmem:s18+$0x0] =	vst v8  }
0x121: {  	v23 =	vld [tilespmem:s22+$0x10];
	v8 =	vshll.u32 v24, $0x3;
	[tilespmem:s18+$0x10] =	vst v13  }
0x122: {  	v14 =	vand.u32 $0x7F, v24;
	v13 =	vshll.u32 v11, $0x3;
	v26 =	vld [tilespmem:s22+$0x20];
	v8 =	vand.u32 $0xFFFFFC00, v8;
	[tilespmem:s18+$0x20] =	vst v15;
	s18 =	smov.u32 s24  }
0x123: {  	v15 =	vld [tilespmem:s22+$0xFFFFFFC0];
	v13 =	vand.u32 $0xFFFFFC00, v13;
	v16 =	vshll.u32 v10, $0x3;
	v8 =	vor.u32 v8, v14  }
0x124: {  	v24 =	vand.u32 $0xFFFFFC00, v16;
	v14 =	vshll.u32 v9, $0x3;
	v27 =	vor.u32 v2, v8;
	v28 =	vld.idx.msk [tilespmem:v21+s17+$0x0], $0xffff  }
0x125: {  	v29 =	vand.u32 $0x7F, v11;
	v30 =	vand.u32 $0xFFFFFC00, v14;
	v8 =	vshll.u32 v12, $0x3;
	v11 =	vld.idx.msk [tilespmem:v17+s17+$0x0], $0xffff  }
0x126: {  	v31 =	vand.u32 $0x7F, v10;
	v32 =	vand.u32 $0xFFFFFC00, v8;
	v8 =	vshll.u32 v23, $0x3;
	v10 =	vld.idx.msk [tilespmem:v18+s17+$0x0], $0xffff  }
.Ltmp10:
0x127: {  	v33 =	vand.u32 $0x7F, v9;
	v14 =	vand.u32 $0xFFFFFC00, v8;
	v8 =	vshll.u32 v26, $0x3;
	v9 =	vld.idx.msk [tilespmem:v19+s17+$0x0], $0xffff;
	(pc) =	sbr.rel @p0 .LBB2_22-.Ltmp10, $4  }
0x128: {  	v18 =	vand.u32 $0x7F, v15;
	v15 =	vshll.u32 v15, $0x3;
	v16 =	vand.u32 $0xFFFFFC00, v8;
	v8 =	vld.idx.msk [tilespmem:v20+s17+$0x0], $0xffff  }
0x129: {  	v17 =	vand.u32 $0x7F, v23;
	v20 =	vand.u32 $0x7F, v12;
	v15 =	vand.u32 $0xFFFFFC00, v15;
	v12 =	vld.idx.msk [tilespmem:v27+s17+$0x0], $0xffff  }
0x12a: {  	v19 =	vor.u32 v13, v29;
	v21 =	vor.u32 v15, v18;
	v18 =	vand.u32 $0x7F, v26;
	[tilespmem:s24+$0xFFFFFFC0] =	vst v28;
	v13 =	vld.idx.msk [tilespmem:v22+s17+$0x0], $0xffff  }
0x12b: {  	s22 =	sadd.s32 $0x80, s22;
	v23 =	vor.u32 v24, v31;
	v20 =	vor.u32 v32, v20;
	v22 =	vor.u32 v30, v33;
	v15 =	vld.idx.msk [tilespmem:v25+s17+$0x0], $0xffff  }
0x12c: {  	v21 =	vor.u32 v2, v21  }
0x12d: {  	v19 =	vor.u32 v2, v19  }
0x12e: {  	v23 =	vor.u32 v2, v23  }
0x12f: {  	[tilespmem:s24+$0xFFFFFFD0] =	vst v11;
	v11 =	vor.u32 v2, v22  }
0x130: {  	[tilespmem:s24+$0xFFFFFFE0] =	vst v10;
	v10 =	vor.u32 v2, v20;
	v16 =	vor.u32 v16, v18  }
0x131: {  	v14 =	vor.u32 v14, v17;
	[tilespmem:s18+$0xFFFFFFF0] =	vst v9;
	s20 =	sadd.s32 $0x80, s24;
	v16 =	vor.u32 v2, v16;
	v9 =	vld.idx.msk [tilespmem:v21+s17+$0x0], $0xffff  }
0x132: {  	v14 =	vor.u32 v2, v14;
	[tilespmem:s20+$0x30] =	vst v12;
	v12 =	vld.idx.msk [tilespmem:v19+s17+$0x0], $0xffff  }
0x133: {  	[tilespmem:s18+$0x0] =	vst v8;
	v8 =	vld.idx.msk [tilespmem:v23+s17+$0x0], $0xffff  }
0x134: {  	[tilespmem:s18+$0x10] =	vst v13;
	v11 =	vld.idx.msk [tilespmem:v11+s17+$0x0], $0xffff  }
0x135: {  	[tilespmem:s18+$0x20] =	vst v15;
	v10 =	vld.idx.msk [tilespmem:v10+s17+$0x0], $0xffff  }
0x136: {  	v13 =	vld.idx.msk [tilespmem:v16+s17+$0x0], $0xffff;
	[tilespmem:s20+$0xFFFFFFC0] =	vst v9  }
0x137: {  	v9 =	vld.idx.msk [tilespmem:v14+s17+$0x0], $0xffff;
	[tilespmem:s20+$0xFFFFFFD0] =	vst v12  }
0x138: {  	[tilespmem:s20+$0xFFFFFFE0] =	vst v8  }
0x139: {  	[tilespmem:s20+$0xFFFFFFF0] =	vst v11  }
0x13a: {  	[tilespmem:s20+$0x0] =	vst v10  }
0x13b: {  	[tilespmem:s20+$0x20] =	vst v13  }
0x13c: {  	[tilespmem:s20+$0x10] =	vst v9  }
0x13d: {  	s20 =	simm.s32 $0x5;
	s18 =	rddreg [dreg:$0x7]  }
0x13e: {  	[hbm4b:s18+s0] =	stream.strided.scatter [tilespmem:s1], [sflag:$0xA], $0x1000, s30, s0, $0x38;
	[tilespmem:$0x1FC00] =	vst v63  }
0x13f: {  	_ =	swait.ge [sflag:s20], $0x3980  }
0x140: {  	[sflag:s20] =	ssyncset.done $0x0  }
0x141: {  	[sflag:s20] =	ssyncadd.s32 $0xFFFFC680  }
0x142: {  	_ =	swait.ge [sflag:s21], $0x1000  }
0x143: {  	[sflag:s21] =	ssyncset.done $0x0  }
0x144: {  	s22 =	simm.s32 $0x1CC40;
	[sflag:s21] =	ssyncadd.s32 $0xFFFFF000  }
0x145: {  	v8 =	vld [tilespmem:s22+$0x30]  }
0x146: {  	v9 =	vld [tilespmem:s22+$0xFFFFFFD0]  }
0x147: {  	v11 =	vld [tilespmem:s22+$0xFFFFFFF0]  }
0x148: {  	v12 =	vld [tilespmem:s22+$0x0]  }
0x149: {  	v13 =	vld [tilespmem:s22+$0x10]  }
0x14a: {  	v15 =	vld [tilespmem:s22+$0x20]  }
0x14b: {  	v17 =	vld [tilespmem:s22+$0xFFFFFFC0]  }
0x14c: {  	v14 =	vshll.u32 v8, $0x3;
	v8 =	vand.u32 $0x7F, v8  }
0x14d: {  	v16 =	vshll.u32 v9, $0x3;
	v18 =	vshll.u32 v11, $0x3;
	v14 =	vand.u32 $0xFFFFFC00, v14  }
0x14e: {  	v10 =	vld [tilespmem:s22+$0xFFFFFFE0];
	v9 =	vand.u32 $0x7F, v9;
	v19 =	vshll.u32 v12, $0x3;
	v8 =	vor.u32 v14, v8  }
0x14f: {  	v20 =	vshll.u32 v13, $0x3;
	v11 =	vand.u32 $0x7F, v11;
	v8 =	vor.u32 v3, v8  }
0x150: {  	v21 =	vshll.u32 v15, $0x3;
	v22 =	vshll.u32 v17, $0x3;
	v17 =	vand.u32 $0x7F, v17  }
0x151: {  	s24 =	simm.s32 $0x1CCC0;
	v18 =	vand.u32 $0xFFFFFC00, v18;
	v19 =	vand.u32 $0xFFFFFC00, v19;
	v20 =	vand.u32 $0xFFFFFC00, v20  }
0x152: {  	v21 =	vand.u32 $0xFFFFFC00, v21;
	v14 =	vand.u32 $0xFFFFFC00, v16;
	v11 =	vor.u32 v18, v11;
	v18 =	vld [tilespmem:s24+$0xFFFFFFF0]  }
0x153: {  	v16 =	vshll.u32 v10, $0x3;
	v9 =	vor.u32 v14, v9;
	v14 =	vand.u32 $0x7F, v15;
	v15 =	vld [tilespmem:s24+$0xFFFFFFD0]  }
0x154: {  	v22 =	vand.u32 $0xFFFFFC00, v22;
	v10 =	vand.u32 $0x7F, v10;
	v16 =	vand.u32 $0xFFFFFC00, v16;
	v23 =	vld.idx.msk [tilespmem:v8+s17+$0x0], $0xffff  }
0x155: {  	v8 =	vand.u32 $0x7F, v12;
	v12 =	vand.u32 $0x7F, v13;
	v13 =	vor.u32 v22, v17;
	v17 =	vld [tilespmem:s24+$0x30]  }
0x156: {  	v25 =	vld [tilespmem:s24+$0x20];
	v10 =	vor.u32 v16, v10;
	v14 =	vor.u32 v21, v14;
	v9 =	vor.u32 v3, v9  }
0x157: {  	v16 =	vld [tilespmem:s24+$0xFFFFFFE0];
	v10 =	vor.u32 v3, v10;
	v24 =	vor.u32 v3, v14;
	v32 =	vand.u32 $0x7F, v18  }
0x158: {  	v21 =	vld [tilespmem:s24+$0xFFFFFFC0];
	v14 =	vshll.u32 v15, $0x3;
	v8 =	vor.u32 v19, v8;
	v13 =	vor.u32 v3, v13  }
0x159: {  	v15 =	vand.u32 $0x7F, v15;
	v12 =	vor.u32 v20, v12;
	v20 =	vld [tilespmem:s24+$0x0];
	v8 =	vor.u32 v3, v8  }
0x15a: {  	v19 =	vor.u32 v3, v11;
	v22 =	vor.u32 v3, v12;
	v12 =	vld [tilespmem:s24+$0x10];
	v11 =	vshll.u32 v17, $0x3  }
0x15b: {  	v26 =	vand.u32 $0xFFFFFC00, v14;
	v17 =	vand.u32 $0x7F, v17;
	v11 =	vand.u32 $0xFFFFFC00, v11  }
0x15c: {  	v14 =	vshll.u32 v16, $0x3;
	v30 =	vand.u32 $0x7F, v16;
	v10 =	vld.idx.msk [tilespmem:v10+s17+$0x0], $0xffff;
	v11 =	vor.u32 v11, v17  }
0x15d: {  	v27 =	vand.u32 $0xFFFFFC00, v14;
	v14 =	vshll.u32 v18, $0x3;
	v13 =	vld.idx.msk [tilespmem:v13+s17+$0x0], $0xffff;
	v28 =	vor.u32 v3, v11  }
0x15e: {  	v16 =	vshll.u32 v25, $0x3;
	v18 =	vand.u32 $0x7F, v21;
	v29 =	vand.u32 $0xFFFFFC00, v14;
	v8 =	vld.idx.msk [tilespmem:v8+s17+$0x0], $0xffff  }
0x15f: {  	v14 =	vshll.u32 v20, $0x3;
	v17 =	vshll.u32 v21, $0x3;
	v11 =	vld.idx.msk [tilespmem:v9+s17+$0x0], $0xffff;
	v9 =	vshll.u32 v12, $0x3  }
0x160: {  	v31 =	vand.u32 $0xFFFFFC00, v14;
	v14 =	vand.u32 $0xFFFFFC00, v9;
	v9 =	vld.idx.msk [tilespmem:v19+s17+$0x0], $0xffff;
	v19 =	vand.u32 $0xFFFFFC00, v17  }
0x161: {  	s24 =	simm.s32 $0x1EC70;
	v16 =	vand.u32 $0xFFFFFC00, v16;
	v21 =	vor.u32 v19, v18;
	v19 =	vor.u32 v26, v15;
	v15 =	vld.idx.msk [tilespmem:v24+s17+$0x0], $0xffff  }
0x162: {  	[tilespmem:s24+$0x0] =	vst v23;
	v23 =	vor.u32 v27, v30;
	v20 =	vand.u32 $0x7F, v20;
	v17 =	vand.u32 $0x7F, v12;
	v12 =	vld.idx.msk [tilespmem:v28+s17+$0x0], $0xffff  }
0x163: {  	s18 =	simm.s32 $0x1EC70;
	s20 =	simm.s32 $0x8;
	s22 =	simm.s32 $0x1CD40;
	v20 =	vor.u32 v31, v20;
	v18 =	vand.u32 $0x7F, v25;
	[tilespmem:s24+$0xFFFFFF90] =	vst v13;
	v13 =	vld.idx.msk [tilespmem:v22+s17+$0x0], $0xffff;
	v22 =	vor.u32 v29, v32  }
.LBB2_24:
0x164: {  	v24 =	vld [tilespmem:s22+$0x30];
	s20 =	sadd.s32 $0x8, s20;
	v21 =	vor.u32 v3, v21;
	v14 =	vor.u32 v14, v17;
	v16 =	vor.u32 v16, v18;
	[tilespmem:s24+$0xFFFFFFA0] =	vst v11  }
0x165: {  	v17 =	vor.u32 v3, v19;
	v18 =	vor.u32 v3, v23;
	v19 =	vor.u32 v3, v22;
	v11 =	vld [tilespmem:s22+$0xFFFFFFD0];
	p0 =	slt.u32 s20, $0xF8;
	[tilespmem:s24+$0xFFFFFFB0] =	vst v10  }
0x166: {  	v20 =	vor.u32 v3, v20;
	v22 =	vor.u32 v3, v14;
	v25 =	vor.u32 v3, v16;
	s24 =	sadd.s32 $0x80, s24;
	v10 =	vld [tilespmem:s22+$0xFFFFFFE0];
	[tilespmem:s18+$0xFFFFFFC0] =	vst v9  }
0x167: {  	v9 =	vld [tilespmem:s22+$0xFFFFFFF0];
	[tilespmem:s24+$0x0] =	vst v12  }
0x168: {  	v12 =	vld [tilespmem:s22+$0x0];
	[tilespmem:s18+$0xFFFFFFD0] =	vst v8  }
0x169: {  	v23 =	vld [tilespmem:s22+$0x10];
	v8 =	vshll.u32 v24, $0x3;
	[tilespmem:s18+$0xFFFFFFE0] =	vst v13  }
0x16a: {  	v14 =	vand.u32 $0x7F, v24;
	v13 =	vshll.u32 v11, $0x3;
	v26 =	vld [tilespmem:s22+$0x20];
	v8 =	vand.u32 $0xFFFFFC00, v8;
	[tilespmem:s18+$0xFFFFFFF0] =	vst v15;
	s18 =	smov.u32 s24  }
0x16b: {  	v15 =	vld [tilespmem:s22+$0xFFFFFFC0];
	v13 =	vand.u32 $0xFFFFFC00, v13;
	v16 =	vshll.u32 v10, $0x3;
	v8 =	vor.u32 v8, v14  }
0x16c: {  	v24 =	vand.u32 $0xFFFFFC00, v16;
	v14 =	vshll.u32 v9, $0x3;
	v27 =	vor.u32 v3, v8;
	v28 =	vld.idx.msk [tilespmem:v21+s17+$0x0], $0xffff  }
0x16d: {  	v29 =	vand.u32 $0x7F, v11;
	v30 =	vand.u32 $0xFFFFFC00, v14;
	v8 =	vshll.u32 v12, $0x3;
	v11 =	vld.idx.msk [tilespmem:v17+s17+$0x0], $0xffff  }
0x16e: {  	v31 =	vand.u32 $0x7F, v10;
	v32 =	vand.u32 $0xFFFFFC00, v8;
	v8 =	vshll.u32 v23, $0x3;
	v10 =	vld.idx.msk [tilespmem:v18+s17+$0x0], $0xffff  }
.Ltmp11:
0x16f: {  	v33 =	vand.u32 $0x7F, v9;
	v14 =	vand.u32 $0xFFFFFC00, v8;
	v8 =	vshll.u32 v26, $0x3;
	v9 =	vld.idx.msk [tilespmem:v19+s17+$0x0], $0xffff;
	(pc) =	sbr.rel @p0 .LBB2_24-.Ltmp11, $4  }
0x170: {  	v18 =	vand.u32 $0x7F, v15;
	v15 =	vshll.u32 v15, $0x3;
	v16 =	vand.u32 $0xFFFFFC00, v8;
	v8 =	vld.idx.msk [tilespmem:v20+s17+$0x0], $0xffff  }
0x171: {  	v17 =	vand.u32 $0x7F, v23;
	v20 =	vand.u32 $0x7F, v12;
	v15 =	vand.u32 $0xFFFFFC00, v15;
	v12 =	vld.idx.msk [tilespmem:v27+s17+$0x0], $0xffff  }
0x172: {  	v19 =	vor.u32 v13, v29;
	v21 =	vor.u32 v15, v18;
	v18 =	vand.u32 $0x7F, v26;
	[tilespmem:s24+$0xFFFFFF90] =	vst v28;
	v13 =	vld.idx.msk [tilespmem:v22+s17+$0x0], $0xffff  }
0x173: {  	s22 =	sadd.s32 $0x80, s22;
	v23 =	vor.u32 v24, v31;
	v20 =	vor.u32 v32, v20;
	v22 =	vor.u32 v30, v33;
	v15 =	vld.idx.msk [tilespmem:v25+s17+$0x0], $0xffff  }
0x174: {  	v21 =	vor.u32 v3, v21  }
0x175: {  	v19 =	vor.u32 v3, v19  }
0x176: {  	v23 =	vor.u32 v3, v23  }
0x177: {  	[tilespmem:s24+$0xFFFFFFA0] =	vst v11;
	v11 =	vor.u32 v3, v22  }
0x178: {  	[tilespmem:s24+$0xFFFFFFB0] =	vst v10;
	v10 =	vor.u32 v3, v20;
	v16 =	vor.u32 v16, v18  }
0x179: {  	v14 =	vor.u32 v14, v17;
	[tilespmem:s18+$0xFFFFFFC0] =	vst v9;
	s20 =	sadd.s32 $0x80, s24;
	v16 =	vor.u32 v3, v16;
	v9 =	vld.idx.msk [tilespmem:v21+s17+$0x0], $0xffff  }
0x17a: {  	v14 =	vor.u32 v3, v14;
	[tilespmem:s20+$0x0] =	vst v12;
	v12 =	vld.idx.msk [tilespmem:v19+s17+$0x0], $0xffff  }
0x17b: {  	[tilespmem:s18+$0xFFFFFFD0] =	vst v8;
	v8 =	vld.idx.msk [tilespmem:v23+s17+$0x0], $0xffff  }
0x17c: {  	[tilespmem:s18+$0xFFFFFFE0] =	vst v13;
	v11 =	vld.idx.msk [tilespmem:v11+s17+$0x0], $0xffff  }
0x17d: {  	[tilespmem:s18+$0xFFFFFFF0] =	vst v15;
	v10 =	vld.idx.msk [tilespmem:v10+s17+$0x0], $0xffff  }
0x17e: {  	v13 =	vld.idx.msk [tilespmem:v16+s17+$0x0], $0xffff;
	[tilespmem:s20+$0xFFFFFF90] =	vst v9  }
0x17f: {  	v9 =	vld.idx.msk [tilespmem:v14+s17+$0x0], $0xffff;
	[tilespmem:s20+$0xFFFFFFA0] =	vst v12  }
0x180: {  	[tilespmem:s20+$0xFFFFFFB0] =	vst v8  }
0x181: {  	[tilespmem:s20+$0xFFFFFFC0] =	vst v11  }
0x182: {  	[tilespmem:s20+$0xFFFFFFD0] =	vst v10  }
0x183: {  	[tilespmem:s20+$0xFFFFFFF0] =	vst v13  }
0x184: {  	[tilespmem:s20+$0xFFFFFFE0] =	vst v9  }
0x185: {  	s18 =	rddreg [dreg:$0x8]  }
0x186: {  	[hbm4b:s18+s0] =	stream.strided.scatter [tilespmem:s19], [sflag:$0xA], $0x1000, s30, s0, $0x38;
	[tilespmem:$0x1FC00] =	vst v63  }
0x187: {  	_ =	swait.ge [sflag:s23], $0x3980  }
0x188: {  	[sflag:s23] =	ssyncset.done $0x0  }
0x189: {  	[sflag:s23] =	ssyncadd.s32 $0xFFFFC680  }
0x18a: {  	_ =	swait.ge [sflag:s21], $0x1000  }
0x18b: {  	[sflag:s21] =	ssyncset.done $0x0  }
0x18c: {  	s22 =	simm.s32 $0x1CC40;
	[sflag:s21] =	ssyncadd.s32 $0xFFFFF000  }
0x18d: {  	v8 =	vld [tilespmem:s22+$0x30]  }
0x18e: {  	v9 =	vld [tilespmem:s22+$0xFFFFFFD0]  }
0x18f: {  	v11 =	vld [tilespmem:s22+$0xFFFFFFF0]  }
0x190: {  	v12 =	vld [tilespmem:s22+$0x0]  }
0x191: {  	v13 =	vld [tilespmem:s22+$0x10]  }
0x192: {  	v15 =	vld [tilespmem:s22+$0x20]  }
0x193: {  	v17 =	vld [tilespmem:s22+$0xFFFFFFC0]  }
0x194: {  	v14 =	vshll.u32 v8, $0x3;
	v8 =	vand.u32 $0x7F, v8  }
0x195: {  	v16 =	vshll.u32 v9, $0x3;
	v18 =	vshll.u32 v11, $0x3;
	v14 =	vand.u32 $0xFFFFFC00, v14  }
0x196: {  	v10 =	vld [tilespmem:s22+$0xFFFFFFE0];
	v9 =	vand.u32 $0x7F, v9;
	v19 =	vshll.u32 v12, $0x3;
	v8 =	vor.u32 v14, v8  }
0x197: {  	v20 =	vshll.u32 v13, $0x3;
	v11 =	vand.u32 $0x7F, v11;
	v8 =	vor.u32 v4, v8  }
0x198: {  	v21 =	vshll.u32 v15, $0x3;
	v22 =	vshll.u32 v17, $0x3;
	v17 =	vand.u32 $0x7F, v17  }
0x199: {  	s24 =	simm.s32 $0x1CCC0;
	v18 =	vand.u32 $0xFFFFFC00, v18;
	v19 =	vand.u32 $0xFFFFFC00, v19;
	v20 =	vand.u32 $0xFFFFFC00, v20  }
0x19a: {  	v21 =	vand.u32 $0xFFFFFC00, v21;
	v14 =	vand.u32 $0xFFFFFC00, v16;
	v11 =	vor.u32 v18, v11;
	v18 =	vld [tilespmem:s24+$0xFFFFFFF0]  }
0x19b: {  	v16 =	vshll.u32 v10, $0x3;
	v9 =	vor.u32 v14, v9;
	v14 =	vand.u32 $0x7F, v15;
	v15 =	vld [tilespmem:s24+$0xFFFFFFD0]  }
0x19c: {  	v22 =	vand.u32 $0xFFFFFC00, v22;
	v10 =	vand.u32 $0x7F, v10;
	v16 =	vand.u32 $0xFFFFFC00, v16;
	v23 =	vld.idx.msk [tilespmem:v8+s17+$0x0], $0xffff  }
0x19d: {  	v8 =	vand.u32 $0x7F, v12;
	v12 =	vand.u32 $0x7F, v13;
	v13 =	vor.u32 v22, v17;
	v17 =	vld [tilespmem:s24+$0x30]  }
0x19e: {  	v25 =	vld [tilespmem:s24+$0x20];
	v10 =	vor.u32 v16, v10;
	v14 =	vor.u32 v21, v14;
	v9 =	vor.u32 v4, v9  }
0x19f: {  	v16 =	vld [tilespmem:s24+$0xFFFFFFE0];
	v10 =	vor.u32 v4, v10;
	v24 =	vor.u32 v4, v14;
	v32 =	vand.u32 $0x7F, v18  }
0x1a0: {  	v21 =	vld [tilespmem:s24+$0xFFFFFFC0];
	v14 =	vshll.u32 v15, $0x3;
	v8 =	vor.u32 v19, v8;
	v13 =	vor.u32 v4, v13  }
0x1a1: {  	v15 =	vand.u32 $0x7F, v15;
	v12 =	vor.u32 v20, v12;
	v20 =	vld [tilespmem:s24+$0x0];
	v8 =	vor.u32 v4, v8  }
0x1a2: {  	v19 =	vor.u32 v4, v11;
	v22 =	vor.u32 v4, v12;
	v12 =	vld [tilespmem:s24+$0x10];
	v11 =	vshll.u32 v17, $0x3  }
0x1a3: {  	v26 =	vand.u32 $0xFFFFFC00, v14;
	v17 =	vand.u32 $0x7F, v17;
	v11 =	vand.u32 $0xFFFFFC00, v11  }
0x1a4: {  	v14 =	vshll.u32 v16, $0x3;
	v30 =	vand.u32 $0x7F, v16;
	v10 =	vld.idx.msk [tilespmem:v10+s17+$0x0], $0xffff;
	v11 =	vor.u32 v11, v17  }
0x1a5: {  	v27 =	vand.u32 $0xFFFFFC00, v14;
	v14 =	vshll.u32 v18, $0x3;
	v13 =	vld.idx.msk [tilespmem:v13+s17+$0x0], $0xffff;
	v28 =	vor.u32 v4, v11  }
0x1a6: {  	v16 =	vshll.u32 v25, $0x3;
	v18 =	vand.u32 $0x7F, v21;
	v29 =	vand.u32 $0xFFFFFC00, v14;
	v8 =	vld.idx.msk [tilespmem:v8+s17+$0x0], $0xffff  }
0x1a7: {  	v14 =	vshll.u32 v20, $0x3;
	v17 =	vshll.u32 v21, $0x3;
	v11 =	vld.idx.msk [tilespmem:v9+s17+$0x0], $0xffff;
	v9 =	vshll.u32 v12, $0x3  }
0x1a8: {  	v31 =	vand.u32 $0xFFFFFC00, v14;
	v14 =	vand.u32 $0xFFFFFC00, v9;
	v9 =	vld.idx.msk [tilespmem:v19+s17+$0x0], $0xffff;
	v19 =	vand.u32 $0xFFFFFC00, v17  }
0x1a9: {  	s24 =	simm.s32 $0x1DC40;
	v16 =	vand.u32 $0xFFFFFC00, v16;
	v21 =	vor.u32 v19, v18;
	v19 =	vor.u32 v26, v15;
	v15 =	vld.idx.msk [tilespmem:v24+s17+$0x0], $0xffff  }
0x1aa: {  	[tilespmem:s24+$0x30] =	vst v23;
	v23 =	vor.u32 v27, v30;
	v20 =	vand.u32 $0x7F, v20;
	v17 =	vand.u32 $0x7F, v12;
	v12 =	vld.idx.msk [tilespmem:v28+s17+$0x0], $0xffff  }
0x1ab: {  	s20 =	simm.s32 $0x8;
	s18 =	simm.s32 $0x1DC40;
	s22 =	simm.s32 $0x1CD40;
	v20 =	vor.u32 v31, v20;
	v18 =	vand.u32 $0x7F, v25;
	[tilespmem:s24+$0xFFFFFFC0] =	vst v13;
	v13 =	vld.idx.msk [tilespmem:v22+s17+$0x0], $0xffff;
	v22 =	vor.u32 v29, v32  }
.LBB2_26:
0x1ac: {  	v24 =	vld [tilespmem:s22+$0x30];
	s20 =	sadd.s32 $0x8, s20;
	v21 =	vor.u32 v4, v21;
	v14 =	vor.u32 v14, v17;
	v16 =	vor.u32 v16, v18;
	[tilespmem:s24+$0xFFFFFFD0] =	vst v11  }
0x1ad: {  	v17 =	vor.u32 v4, v19;
	v18 =	vor.u32 v4, v23;
	v19 =	vor.u32 v4, v22;
	v11 =	vld [tilespmem:s22+$0xFFFFFFD0];
	p0 =	slt.u32 s20, $0xF8;
	[tilespmem:s24+$0xFFFFFFE0] =	vst v10  }
0x1ae: {  	v20 =	vor.u32 v4, v20;
	v22 =	vor.u32 v4, v14;
	v25 =	vor.u32 v4, v16;
	s24 =	sadd.s32 $0x80, s24;
	v10 =	vld [tilespmem:s22+$0xFFFFFFE0];
	[tilespmem:s18+$0xFFFFFFF0] =	vst v9  }
0x1af: {  	v9 =	vld [tilespmem:s22+$0xFFFFFFF0];
	[tilespmem:s24+$0x30] =	vst v12  }
0x1b0: {  	v12 =	vld [tilespmem:s22+$0x0];
	[tilespmem:s18+$0x0] =	vst v8  }
0x1b1: {  	v23 =	vld [tilespmem:s22+$0x10];
	v8 =	vshll.u32 v24, $0x3;
	[tilespmem:s18+$0x10] =	vst v13  }
0x1b2: {  	v14 =	vand.u32 $0x7F, v24;
	v13 =	vshll.u32 v11, $0x3;
	v26 =	vld [tilespmem:s22+$0x20];
	v8 =	vand.u32 $0xFFFFFC00, v8;
	[tilespmem:s18+$0x20] =	vst v15;
	s18 =	smov.u32 s24  }
0x1b3: {  	v15 =	vld [tilespmem:s22+$0xFFFFFFC0];
	v13 =	vand.u32 $0xFFFFFC00, v13;
	v16 =	vshll.u32 v10, $0x3;
	v8 =	vor.u32 v8, v14  }
0x1b4: {  	v24 =	vand.u32 $0xFFFFFC00, v16;
	v14 =	vshll.u32 v9, $0x3;
	v27 =	vor.u32 v4, v8;
	v28 =	vld.idx.msk [tilespmem:v21+s17+$0x0], $0xffff  }
0x1b5: {  	v29 =	vand.u32 $0x7F, v11;
	v30 =	vand.u32 $0xFFFFFC00, v14;
	v8 =	vshll.u32 v12, $0x3;
	v11 =	vld.idx.msk [tilespmem:v17+s17+$0x0], $0xffff  }
0x1b6: {  	v31 =	vand.u32 $0x7F, v10;
	v32 =	vand.u32 $0xFFFFFC00, v8;
	v8 =	vshll.u32 v23, $0x3;
	v10 =	vld.idx.msk [tilespmem:v18+s17+$0x0], $0xffff  }
.Ltmp12:
0x1b7: {  	v33 =	vand.u32 $0x7F, v9;
	v14 =	vand.u32 $0xFFFFFC00, v8;
	v8 =	vshll.u32 v26, $0x3;
	v9 =	vld.idx.msk [tilespmem:v19+s17+$0x0], $0xffff;
	(pc) =	sbr.rel @p0 .LBB2_26-.Ltmp12, $4  }
0x1b8: {  	v18 =	vand.u32 $0x7F, v15;
	v15 =	vshll.u32 v15, $0x3;
	v16 =	vand.u32 $0xFFFFFC00, v8;
	v8 =	vld.idx.msk [tilespmem:v20+s17+$0x0], $0xffff  }
0x1b9: {  	v17 =	vand.u32 $0x7F, v23;
	v20 =	vand.u32 $0x7F, v12;
	v15 =	vand.u32 $0xFFFFFC00, v15;
	v12 =	vld.idx.msk [tilespmem:v27+s17+$0x0], $0xffff  }
0x1ba: {  	v19 =	vor.u32 v13, v29;
	v21 =	vor.u32 v15, v18;
	v18 =	vand.u32 $0x7F, v26;
	[tilespmem:s24+$0xFFFFFFC0] =	vst v28;
	v13 =	vld.idx.msk [tilespmem:v22+s17+$0x0], $0xffff  }
0x1bb: {  	s22 =	sadd.s32 $0x80, s22;
	v23 =	vor.u32 v24, v31;
	v20 =	vor.u32 v32, v20;
	v22 =	vor.u32 v30, v33;
	v15 =	vld.idx.msk [tilespmem:v25+s17+$0x0], $0xffff  }
0x1bc: {  	v21 =	vor.u32 v4, v21  }
0x1bd: {  	v19 =	vor.u32 v4, v19  }
0x1be: {  	v23 =	vor.u32 v4, v23  }
0x1bf: {  	[tilespmem:s24+$0xFFFFFFD0] =	vst v11;
	v11 =	vor.u32 v4, v22  }
0x1c0: {  	[tilespmem:s24+$0xFFFFFFE0] =	vst v10;
	v10 =	vor.u32 v4, v20;
	v16 =	vor.u32 v16, v18  }
0x1c1: {  	v14 =	vor.u32 v14, v17;
	[tilespmem:s18+$0xFFFFFFF0] =	vst v9;
	s20 =	sadd.s32 $0x80, s24;
	v16 =	vor.u32 v4, v16;
	v9 =	vld.idx.msk [tilespmem:v21+s17+$0x0], $0xffff  }
0x1c2: {  	v14 =	vor.u32 v4, v14;
	[tilespmem:s20+$0x30] =	vst v12;
	v12 =	vld.idx.msk [tilespmem:v19+s17+$0x0], $0xffff  }
0x1c3: {  	[tilespmem:s18+$0x0] =	vst v8;
	v8 =	vld.idx.msk [tilespmem:v23+s17+$0x0], $0xffff  }
0x1c4: {  	[tilespmem:s18+$0x10] =	vst v13;
	v11 =	vld.idx.msk [tilespmem:v11+s17+$0x0], $0xffff  }
0x1c5: {  	[tilespmem:s18+$0x20] =	vst v15;
	v10 =	vld.idx.msk [tilespmem:v10+s17+$0x0], $0xffff  }
0x1c6: {  	v13 =	vld.idx.msk [tilespmem:v16+s17+$0x0], $0xffff;
	[tilespmem:s20+$0xFFFFFFC0] =	vst v9  }
0x1c7: {  	v9 =	vld.idx.msk [tilespmem:v14+s17+$0x0], $0xffff;
	[tilespmem:s20+$0xFFFFFFD0] =	vst v12  }
0x1c8: {  	[tilespmem:s20+$0xFFFFFFE0] =	vst v8  }
0x1c9: {  	[tilespmem:s20+$0xFFFFFFF0] =	vst v11  }
0x1ca: {  	[tilespmem:s20+$0x0] =	vst v10  }
0x1cb: {  	[tilespmem:s20+$0x20] =	vst v13  }
0x1cc: {  	[tilespmem:s20+$0x10] =	vst v9  }
0x1cd: {  	s18 =	rddreg [dreg:$0x9]  }
0x1ce: {  	[hbm4b:s18+s0] =	stream.strided.scatter [tilespmem:s1], [sflag:$0xA], $0x1000, s30, s0, $0x38;
	[tilespmem:$0x1FC00] =	vst v63  }
0x1cf: {  	_ =	swait.ge [sflag:s25], $0x3980  }
0x1d0: {  	[sflag:s25] =	ssyncset.done $0x0  }
0x1d1: {  	[sflag:s25] =	ssyncadd.s32 $0xFFFFC680  }
0x1d2: {  	_ =	swait.ge [sflag:s21], $0x1000  }
0x1d3: {  	[sflag:s21] =	ssyncset.done $0x0  }
0x1d4: {  	s22 =	simm.s32 $0x1CC40;
	[sflag:s21] =	ssyncadd.s32 $0xFFFFF000  }
0x1d5: {  	v8 =	vld [tilespmem:s22+$0x30]  }
0x1d6: {  	v9 =	vld [tilespmem:s22+$0xFFFFFFD0]  }
0x1d7: {  	v11 =	vld [tilespmem:s22+$0xFFFFFFF0]  }
0x1d8: {  	v12 =	vld [tilespmem:s22+$0x0]  }
0x1d9: {  	v13 =	vld [tilespmem:s22+$0x10]  }
0x1da: {  	v15 =	vld [tilespmem:s22+$0x20]  }
0x1db: {  	v17 =	vld [tilespmem:s22+$0xFFFFFFC0]  }
0x1dc: {  	v14 =	vshll.u32 v8, $0x3;
	v8 =	vand.u32 $0x7F, v8  }
0x1dd: {  	v16 =	vshll.u32 v9, $0x3;
	v18 =	vshll.u32 v11, $0x3;
	v14 =	vand.u32 $0xFFFFFC00, v14  }
0x1de: {  	v10 =	vld [tilespmem:s22+$0xFFFFFFE0];
	v9 =	vand.u32 $0x7F, v9;
	v19 =	vshll.u32 v12, $0x3;
	v8 =	vor.u32 v14, v8  }
0x1df: {  	v20 =	vshll.u32 v13, $0x3;
	v11 =	vand.u32 $0x7F, v11;
	v8 =	vor.u32 v5, v8  }
0x1e0: {  	v21 =	vshll.u32 v15, $0x3;
	v22 =	vshll.u32 v17, $0x3;
	v17 =	vand.u32 $0x7F, v17  }
0x1e1: {  	s24 =	simm.s32 $0x1CCC0;
	v18 =	vand.u32 $0xFFFFFC00, v18;
	v19 =	vand.u32 $0xFFFFFC00, v19;
	v20 =	vand.u32 $0xFFFFFC00, v20  }
0x1e2: {  	v21 =	vand.u32 $0xFFFFFC00, v21;
	v14 =	vand.u32 $0xFFFFFC00, v16;
	v11 =	vor.u32 v18, v11;
	v18 =	vld [tilespmem:s24+$0xFFFFFFF0]  }
0x1e3: {  	v16 =	vshll.u32 v10, $0x3;
	v9 =	vor.u32 v14, v9;
	v14 =	vand.u32 $0x7F, v15;
	v15 =	vld [tilespmem:s24+$0xFFFFFFD0]  }
0x1e4: {  	v22 =	vand.u32 $0xFFFFFC00, v22;
	v10 =	vand.u32 $0x7F, v10;
	v16 =	vand.u32 $0xFFFFFC00, v16;
	v23 =	vld.idx.msk [tilespmem:v8+s17+$0x0], $0xffff  }
0x1e5: {  	v8 =	vand.u32 $0x7F, v12;
	v12 =	vand.u32 $0x7F, v13;
	v13 =	vor.u32 v22, v17;
	v17 =	vld [tilespmem:s24+$0x30]  }
0x1e6: {  	v25 =	vld [tilespmem:s24+$0x20];
	v10 =	vor.u32 v16, v10;
	v14 =	vor.u32 v21, v14;
	v9 =	vor.u32 v5, v9  }
0x1e7: {  	v16 =	vld [tilespmem:s24+$0xFFFFFFE0];
	v10 =	vor.u32 v5, v10;
	v24 =	vor.u32 v5, v14;
	v32 =	vand.u32 $0x7F, v18  }
0x1e8: {  	v21 =	vld [tilespmem:s24+$0xFFFFFFC0];
	v14 =	vshll.u32 v15, $0x3;
	v8 =	vor.u32 v19, v8;
	v13 =	vor.u32 v5, v13  }
0x1e9: {  	v15 =	vand.u32 $0x7F, v15;
	v12 =	vor.u32 v20, v12;
	v20 =	vld [tilespmem:s24+$0x0];
	v8 =	vor.u32 v5, v8  }
0x1ea: {  	v19 =	vor.u32 v5, v11;
	v22 =	vor.u32 v5, v12;
	v12 =	vld [tilespmem:s24+$0x10];
	v11 =	vshll.u32 v17, $0x3  }
0x1eb: {  	v26 =	vand.u32 $0xFFFFFC00, v14;
	v17 =	vand.u32 $0x7F, v17;
	v11 =	vand.u32 $0xFFFFFC00, v11  }
0x1ec: {  	v14 =	vshll.u32 v16, $0x3;
	v30 =	vand.u32 $0x7F, v16;
	v10 =	vld.idx.msk [tilespmem:v10+s17+$0x0], $0xffff;
	v11 =	vor.u32 v11, v17  }
0x1ed: {  	v27 =	vand.u32 $0xFFFFFC00, v14;
	v14 =	vshll.u32 v18, $0x3;
	v13 =	vld.idx.msk [tilespmem:v13+s17+$0x0], $0xffff;
	v28 =	vor.u32 v5, v11  }
0x1ee: {  	v16 =	vshll.u32 v25, $0x3;
	v18 =	vand.u32 $0x7F, v21;
	v29 =	vand.u32 $0xFFFFFC00, v14;
	v8 =	vld.idx.msk [tilespmem:v8+s17+$0x0], $0xffff  }
0x1ef: {  	v14 =	vshll.u32 v20, $0x3;
	v17 =	vshll.u32 v21, $0x3;
	v11 =	vld.idx.msk [tilespmem:v9+s17+$0x0], $0xffff;
	v9 =	vshll.u32 v12, $0x3  }
0x1f0: {  	v31 =	vand.u32 $0xFFFFFC00, v14;
	v14 =	vand.u32 $0xFFFFFC00, v9;
	v9 =	vld.idx.msk [tilespmem:v19+s17+$0x0], $0xffff;
	v19 =	vand.u32 $0xFFFFFC00, v17  }
0x1f1: {  	s24 =	simm.s32 $0x1EC70;
	v16 =	vand.u32 $0xFFFFFC00, v16;
	v21 =	vor.u32 v19, v18;
	v19 =	vor.u32 v26, v15;
	v15 =	vld.idx.msk [tilespmem:v24+s17+$0x0], $0xffff  }
0x1f2: {  	[tilespmem:s24+$0x0] =	vst v23;
	v23 =	vor.u32 v27, v30;
	v20 =	vand.u32 $0x7F, v20;
	v17 =	vand.u32 $0x7F, v12;
	v12 =	vld.idx.msk [tilespmem:v28+s17+$0x0], $0xffff  }
0x1f3: {  	s20 =	simm.s32 $0x8;
	s18 =	simm.s32 $0x1EC70;
	s22 =	simm.s32 $0x1CD40;
	v20 =	vor.u32 v31, v20;
	v18 =	vand.u32 $0x7F, v25;
	[tilespmem:s24+$0xFFFFFF90] =	vst v13;
	v13 =	vld.idx.msk [tilespmem:v22+s17+$0x0], $0xffff;
	v22 =	vor.u32 v29, v32  }
.LBB2_28:
0x1f4: {  	v24 =	vld [tilespmem:s22+$0x30];
	s20 =	sadd.s32 $0x8, s20;
	v21 =	vor.u32 v5, v21;
	v14 =	vor.u32 v14, v17;
	v16 =	vor.u32 v16, v18;
	[tilespmem:s24+$0xFFFFFFA0] =	vst v11  }
0x1f5: {  	v17 =	vor.u32 v5, v19;
	v18 =	vor.u32 v5, v23;
	v19 =	vor.u32 v5, v22;
	v11 =	vld [tilespmem:s22+$0xFFFFFFD0];
	p0 =	slt.u32 s20, $0xF8;
	[tilespmem:s24+$0xFFFFFFB0] =	vst v10  }
0x1f6: {  	v20 =	vor.u32 v5, v20;
	v22 =	vor.u32 v5, v14;
	v25 =	vor.u32 v5, v16;
	s24 =	sadd.s32 $0x80, s24;
	v10 =	vld [tilespmem:s22+$0xFFFFFFE0];
	[tilespmem:s18+$0xFFFFFFC0] =	vst v9  }
0x1f7: {  	v9 =	vld [tilespmem:s22+$0xFFFFFFF0];
	[tilespmem:s24+$0x0] =	vst v12  }
0x1f8: {  	v12 =	vld [tilespmem:s22+$0x0];
	[tilespmem:s18+$0xFFFFFFD0] =	vst v8  }
0x1f9: {  	v23 =	vld [tilespmem:s22+$0x10];
	v8 =	vshll.u32 v24, $0x3;
	[tilespmem:s18+$0xFFFFFFE0] =	vst v13  }
0x1fa: {  	v14 =	vand.u32 $0x7F, v24;
	v13 =	vshll.u32 v11, $0x3;
	v26 =	vld [tilespmem:s22+$0x20];
	v8 =	vand.u32 $0xFFFFFC00, v8;
	[tilespmem:s18+$0xFFFFFFF0] =	vst v15;
	s18 =	smov.u32 s24  }
0x1fb: {  	v15 =	vld [tilespmem:s22+$0xFFFFFFC0];
	v13 =	vand.u32 $0xFFFFFC00, v13;
	v16 =	vshll.u32 v10, $0x3;
	v8 =	vor.u32 v8, v14  }
0x1fc: {  	v24 =	vand.u32 $0xFFFFFC00, v16;
	v14 =	vshll.u32 v9, $0x3;
	v27 =	vor.u32 v5, v8;
	v28 =	vld.idx.msk [tilespmem:v21+s17+$0x0], $0xffff  }
0x1fd: {  	v29 =	vand.u32 $0x7F, v11;
	v30 =	vand.u32 $0xFFFFFC00, v14;
	v8 =	vshll.u32 v12, $0x3;
	v11 =	vld.idx.msk [tilespmem:v17+s17+$0x0], $0xffff  }
0x1fe: {  	v31 =	vand.u32 $0x7F, v10;
	v32 =	vand.u32 $0xFFFFFC00, v8;
	v8 =	vshll.u32 v23, $0x3;
	v10 =	vld.idx.msk [tilespmem:v18+s17+$0x0], $0xffff  }
.Ltmp13:
0x1ff: {  	v33 =	vand.u32 $0x7F, v9;
	v14 =	vand.u32 $0xFFFFFC00, v8;
	v8 =	vshll.u32 v26, $0x3;
	v9 =	vld.idx.msk [tilespmem:v19+s17+$0x0], $0xffff;
	(pc) =	sbr.rel @p0 .LBB2_28-.Ltmp13, $4  }
0x200: {  	v18 =	vand.u32 $0x7F, v15;
	v15 =	vshll.u32 v15, $0x3;
	v16 =	vand.u32 $0xFFFFFC00, v8;
	v8 =	vld.idx.msk [tilespmem:v20+s17+$0x0], $0xffff  }
0x201: {  	v17 =	vand.u32 $0x7F, v23;
	v20 =	vand.u32 $0x7F, v12;
	v15 =	vand.u32 $0xFFFFFC00, v15;
	v12 =	vld.idx.msk [tilespmem:v27+s17+$0x0], $0xffff  }
0x202: {  	v19 =	vor.u32 v13, v29;
	v21 =	vor.u32 v15, v18;
	v18 =	vand.u32 $0x7F, v26;
	[tilespmem:s24+$0xFFFFFF90] =	vst v28;
	v13 =	vld.idx.msk [tilespmem:v22+s17+$0x0], $0xffff  }
0x203: {  	s22 =	sadd.s32 $0x80, s22;
	v23 =	vor.u32 v24, v31;
	v20 =	vor.u32 v32, v20;
	v22 =	vor.u32 v30, v33;
	v15 =	vld.idx.msk [tilespmem:v25+s17+$0x0], $0xffff  }
0x204: {  	v21 =	vor.u32 v5, v21  }
0x205: {  	v19 =	vor.u32 v5, v19  }
0x206: {  	v23 =	vor.u32 v5, v23  }
0x207: {  	[tilespmem:s24+$0xFFFFFFA0] =	vst v11;
	v11 =	vor.u32 v5, v22  }
0x208: {  	[tilespmem:s24+$0xFFFFFFB0] =	vst v10;
	v10 =	vor.u32 v5, v20;
	v16 =	vor.u32 v16, v18  }
0x209: {  	v14 =	vor.u32 v14, v17;
	[tilespmem:s18+$0xFFFFFFC0] =	vst v9;
	s20 =	sadd.s32 $0x80, s24;
	v16 =	vor.u32 v5, v16;
	v9 =	vld.idx.msk [tilespmem:v21+s17+$0x0], $0xffff  }
0x20a: {  	v14 =	vor.u32 v5, v14;
	[tilespmem:s20+$0x0] =	vst v12;
	v12 =	vld.idx.msk [tilespmem:v19+s17+$0x0], $0xffff  }
0x20b: {  	[tilespmem:s18+$0xFFFFFFD0] =	vst v8;
	v8 =	vld.idx.msk [tilespmem:v23+s17+$0x0], $0xffff  }
0x20c: {  	[tilespmem:s18+$0xFFFFFFE0] =	vst v13;
	v11 =	vld.idx.msk [tilespmem:v11+s17+$0x0], $0xffff  }
0x20d: {  	[tilespmem:s18+$0xFFFFFFF0] =	vst v15;
	v10 =	vld.idx.msk [tilespmem:v10+s17+$0x0], $0xffff  }
0x20e: {  	v13 =	vld.idx.msk [tilespmem:v16+s17+$0x0], $0xffff;
	[tilespmem:s20+$0xFFFFFF90] =	vst v9  }
0x20f: {  	v9 =	vld.idx.msk [tilespmem:v14+s17+$0x0], $0xffff;
	[tilespmem:s20+$0xFFFFFFA0] =	vst v12  }
0x210: {  	[tilespmem:s20+$0xFFFFFFB0] =	vst v8  }
0x211: {  	[tilespmem:s20+$0xFFFFFFC0] =	vst v11  }
0x212: {  	[tilespmem:s20+$0xFFFFFFD0] =	vst v10  }
0x213: {  	[tilespmem:s20+$0xFFFFFFF0] =	vst v13  }
0x214: {  	[tilespmem:s20+$0xFFFFFFE0] =	vst v9  }
0x215: {  	s18 =	rddreg [dreg:$0xa]  }
0x216: {  	[hbm4b:s18+s0] =	stream.strided.scatter [tilespmem:s19], [sflag:$0xA], $0x1000, s30, s0, $0x38;
	[tilespmem:$0x1FC00] =	vst v63  }
0x217: {  	_ =	swait.ge [sflag:s26], $0x3980  }
0x218: {  	[sflag:s26] =	ssyncset.done $0x0  }
0x219: {  	[sflag:s26] =	ssyncadd.s32 $0xFFFFC680  }
0x21a: {  	_ =	swait.ge [sflag:s21], $0x1000  }
0x21b: {  	[sflag:s21] =	ssyncset.done $0x0  }
0x21c: {  	s22 =	simm.s32 $0x1CC40;
	[sflag:s21] =	ssyncadd.s32 $0xFFFFF000  }
0x21d: {  	v8 =	vld [tilespmem:s22+$0x30]  }
0x21e: {  	v9 =	vld [tilespmem:s22+$0xFFFFFFD0]  }
0x21f: {  	v11 =	vld [tilespmem:s22+$0xFFFFFFF0]  }
0x220: {  	v12 =	vld [tilespmem:s22+$0x0]  }
0x221: {  	v13 =	vld [tilespmem:s22+$0x10]  }
0x222: {  	v15 =	vld [tilespmem:s22+$0x20]  }
0x223: {  	v17 =	vld [tilespmem:s22+$0xFFFFFFC0]  }
0x224: {  	v14 =	vshll.u32 v8, $0x3;
	v8 =	vand.u32 $0x7F, v8  }
0x225: {  	v16 =	vshll.u32 v9, $0x3;
	v18 =	vshll.u32 v11, $0x3;
	v14 =	vand.u32 $0xFFFFFC00, v14  }
0x226: {  	v10 =	vld [tilespmem:s22+$0xFFFFFFE0];
	v9 =	vand.u32 $0x7F, v9;
	v19 =	vshll.u32 v12, $0x3;
	v8 =	vor.u32 v14, v8  }
0x227: {  	v20 =	vshll.u32 v13, $0x3;
	v11 =	vand.u32 $0x7F, v11;
	v8 =	vor.u32 v6, v8  }
0x228: {  	v21 =	vshll.u32 v15, $0x3;
	v22 =	vshll.u32 v17, $0x3;
	v17 =	vand.u32 $0x7F, v17  }
0x229: {  	s24 =	simm.s32 $0x1CCC0;
	v18 =	vand.u32 $0xFFFFFC00, v18;
	v19 =	vand.u32 $0xFFFFFC00, v19;
	v20 =	vand.u32 $0xFFFFFC00, v20  }
0x22a: {  	v21 =	vand.u32 $0xFFFFFC00, v21;
	v14 =	vand.u32 $0xFFFFFC00, v16;
	v11 =	vor.u32 v18, v11;
	v18 =	vld [tilespmem:s24+$0xFFFFFFF0]  }
0x22b: {  	v16 =	vshll.u32 v10, $0x3;
	v9 =	vor.u32 v14, v9;
	v14 =	vand.u32 $0x7F, v15;
	v15 =	vld [tilespmem:s24+$0xFFFFFFD0]  }
0x22c: {  	v22 =	vand.u32 $0xFFFFFC00, v22;
	v10 =	vand.u32 $0x7F, v10;
	v16 =	vand.u32 $0xFFFFFC00, v16;
	v23 =	vld.idx.msk [tilespmem:v8+s17+$0x0], $0xffff  }
0x22d: {  	v8 =	vand.u32 $0x7F, v12;
	v12 =	vand.u32 $0x7F, v13;
	v13 =	vor.u32 v22, v17;
	v17 =	vld [tilespmem:s24+$0x30]  }
0x22e: {  	v25 =	vld [tilespmem:s24+$0x20];
	v10 =	vor.u32 v16, v10;
	v14 =	vor.u32 v21, v14;
	v9 =	vor.u32 v6, v9  }
0x22f: {  	v16 =	vld [tilespmem:s24+$0xFFFFFFE0];
	v10 =	vor.u32 v6, v10;
	v24 =	vor.u32 v6, v14;
	v32 =	vand.u32 $0x7F, v18  }
0x230: {  	v21 =	vld [tilespmem:s24+$0xFFFFFFC0];
	v14 =	vshll.u32 v15, $0x3;
	v8 =	vor.u32 v19, v8;
	v13 =	vor.u32 v6, v13  }
0x231: {  	v15 =	vand.u32 $0x7F, v15;
	v12 =	vor.u32 v20, v12;
	v20 =	vld [tilespmem:s24+$0x0];
	v8 =	vor.u32 v6, v8  }
0x232: {  	v19 =	vor.u32 v6, v11;
	v22 =	vor.u32 v6, v12;
	v12 =	vld [tilespmem:s24+$0x10];
	v11 =	vshll.u32 v17, $0x3  }
0x233: {  	v26 =	vand.u32 $0xFFFFFC00, v14;
	v17 =	vand.u32 $0x7F, v17;
	v11 =	vand.u32 $0xFFFFFC00, v11  }
0x234: {  	v14 =	vshll.u32 v16, $0x3;
	v30 =	vand.u32 $0x7F, v16;
	v10 =	vld.idx.msk [tilespmem:v10+s17+$0x0], $0xffff;
	v11 =	vor.u32 v11, v17  }
0x235: {  	v27 =	vand.u32 $0xFFFFFC00, v14;
	v14 =	vshll.u32 v18, $0x3;
	v13 =	vld.idx.msk [tilespmem:v13+s17+$0x0], $0xffff;
	v28 =	vor.u32 v6, v11  }
0x236: {  	v16 =	vshll.u32 v25, $0x3;
	v18 =	vand.u32 $0x7F, v21;
	v29 =	vand.u32 $0xFFFFFC00, v14;
	v8 =	vld.idx.msk [tilespmem:v8+s17+$0x0], $0xffff  }
0x237: {  	v14 =	vshll.u32 v20, $0x3;
	v17 =	vshll.u32 v21, $0x3;
	v11 =	vld.idx.msk [tilespmem:v9+s17+$0x0], $0xffff;
	v9 =	vshll.u32 v12, $0x3  }
0x238: {  	v31 =	vand.u32 $0xFFFFFC00, v14;
	v14 =	vand.u32 $0xFFFFFC00, v9;
	v9 =	vld.idx.msk [tilespmem:v19+s17+$0x0], $0xffff;
	v19 =	vand.u32 $0xFFFFFC00, v17  }
0x239: {  	s24 =	simm.s32 $0x1DC40;
	v16 =	vand.u32 $0xFFFFFC00, v16;
	v21 =	vor.u32 v19, v18;
	v19 =	vor.u32 v26, v15;
	v15 =	vld.idx.msk [tilespmem:v24+s17+$0x0], $0xffff  }
0x23a: {  	[tilespmem:s24+$0x30] =	vst v23;
	v23 =	vor.u32 v27, v30;
	v20 =	vand.u32 $0x7F, v20;
	v17 =	vand.u32 $0x7F, v12;
	v12 =	vld.idx.msk [tilespmem:v28+s17+$0x0], $0xffff  }
0x23b: {  	s20 =	simm.s32 $0x8;
	s18 =	simm.s32 $0x1DC40;
	s22 =	simm.s32 $0x1CD40;
	v20 =	vor.u32 v31, v20;
	v18 =	vand.u32 $0x7F, v25;
	[tilespmem:s24+$0xFFFFFFC0] =	vst v13;
	v13 =	vld.idx.msk [tilespmem:v22+s17+$0x0], $0xffff;
	v22 =	vor.u32 v29, v32  }
.LBB2_30:
0x23c: {  	v24 =	vld [tilespmem:s22+$0x30];
	s20 =	sadd.s32 $0x8, s20;
	v21 =	vor.u32 v6, v21;
	v14 =	vor.u32 v14, v17;
	v16 =	vor.u32 v16, v18;
	[tilespmem:s24+$0xFFFFFFD0] =	vst v11  }
0x23d: {  	v17 =	vor.u32 v6, v19;
	v18 =	vor.u32 v6, v23;
	v19 =	vor.u32 v6, v22;
	v11 =	vld [tilespmem:s22+$0xFFFFFFD0];
	p0 =	slt.u32 s20, $0xF8;
	[tilespmem:s24+$0xFFFFFFE0] =	vst v10  }
0x23e: {  	v20 =	vor.u32 v6, v20;
	v22 =	vor.u32 v6, v14;
	v25 =	vor.u32 v6, v16;
	s24 =	sadd.s32 $0x80, s24;
	v10 =	vld [tilespmem:s22+$0xFFFFFFE0];
	[tilespmem:s18+$0xFFFFFFF0] =	vst v9  }
0x23f: {  	v9 =	vld [tilespmem:s22+$0xFFFFFFF0];
	[tilespmem:s24+$0x30] =	vst v12  }
0x240: {  	v12 =	vld [tilespmem:s22+$0x0];
	[tilespmem:s18+$0x0] =	vst v8  }
0x241: {  	v23 =	vld [tilespmem:s22+$0x10];
	v8 =	vshll.u32 v24, $0x3;
	[tilespmem:s18+$0x10] =	vst v13  }
0x242: {  	v14 =	vand.u32 $0x7F, v24;
	v13 =	vshll.u32 v11, $0x3;
	v26 =	vld [tilespmem:s22+$0x20];
	v8 =	vand.u32 $0xFFFFFC00, v8;
	[tilespmem:s18+$0x20] =	vst v15;
	s18 =	smov.u32 s24  }
0x243: {  	v15 =	vld [tilespmem:s22+$0xFFFFFFC0];
	v13 =	vand.u32 $0xFFFFFC00, v13;
	v16 =	vshll.u32 v10, $0x3;
	v8 =	vor.u32 v8, v14  }
0x244: {  	v24 =	vand.u32 $0xFFFFFC00, v16;
	v14 =	vshll.u32 v9, $0x3;
	v27 =	vor.u32 v6, v8;
	v28 =	vld.idx.msk [tilespmem:v21+s17+$0x0], $0xffff  }
0x245: {  	v29 =	vand.u32 $0x7F, v11;
	v30 =	vand.u32 $0xFFFFFC00, v14;
	v8 =	vshll.u32 v12, $0x3;
	v11 =	vld.idx.msk [tilespmem:v17+s17+$0x0], $0xffff  }
0x246: {  	v31 =	vand.u32 $0x7F, v10;
	v32 =	vand.u32 $0xFFFFFC00, v8;
	v8 =	vshll.u32 v23, $0x3;
	v10 =	vld.idx.msk [tilespmem:v18+s17+$0x0], $0xffff  }
.Ltmp14:
0x247: {  	v33 =	vand.u32 $0x7F, v9;
	v14 =	vand.u32 $0xFFFFFC00, v8;
	v8 =	vshll.u32 v26, $0x3;
	v9 =	vld.idx.msk [tilespmem:v19+s17+$0x0], $0xffff;
	(pc) =	sbr.rel @p0 .LBB2_30-.Ltmp14, $4  }
0x248: {  	v18 =	vand.u32 $0x7F, v15;
	v15 =	vshll.u32 v15, $0x3;
	v16 =	vand.u32 $0xFFFFFC00, v8;
	v8 =	vld.idx.msk [tilespmem:v20+s17+$0x0], $0xffff  }
0x249: {  	v17 =	vand.u32 $0x7F, v23;
	v20 =	vand.u32 $0x7F, v12;
	v15 =	vand.u32 $0xFFFFFC00, v15;
	v12 =	vld.idx.msk [tilespmem:v27+s17+$0x0], $0xffff  }
0x24a: {  	v19 =	vor.u32 v13, v29;
	v21 =	vor.u32 v15, v18;
	v18 =	vand.u32 $0x7F, v26;
	[tilespmem:s24+$0xFFFFFFC0] =	vst v28;
	v13 =	vld.idx.msk [tilespmem:v22+s17+$0x0], $0xffff  }
0x24b: {  	s22 =	sadd.s32 $0x80, s22;
	v23 =	vor.u32 v24, v31;
	v20 =	vor.u32 v32, v20;
	v22 =	vor.u32 v30, v33;
	v15 =	vld.idx.msk [tilespmem:v25+s17+$0x0], $0xffff  }
0x24c: {  	v21 =	vor.u32 v6, v21  }
0x24d: {  	v19 =	vor.u32 v6, v19  }
0x24e: {  	v23 =	vor.u32 v6, v23  }
0x24f: {  	[tilespmem:s24+$0xFFFFFFD0] =	vst v11;
	v11 =	vor.u32 v6, v22  }
0x250: {  	[tilespmem:s24+$0xFFFFFFE0] =	vst v10;
	v10 =	vor.u32 v6, v20;
	v16 =	vor.u32 v16, v18  }
0x251: {  	v14 =	vor.u32 v14, v17;
	[tilespmem:s18+$0xFFFFFFF0] =	vst v9;
	s20 =	sadd.s32 $0x80, s24;
	v16 =	vor.u32 v6, v16;
	v9 =	vld.idx.msk [tilespmem:v21+s17+$0x0], $0xffff  }
0x252: {  	v14 =	vor.u32 v6, v14;
	[tilespmem:s20+$0x30] =	vst v12;
	v12 =	vld.idx.msk [tilespmem:v19+s17+$0x0], $0xffff  }
0x253: {  	[tilespmem:s18+$0x0] =	vst v8;
	v8 =	vld.idx.msk [tilespmem:v23+s17+$0x0], $0xffff  }
0x254: {  	[tilespmem:s18+$0x10] =	vst v13;
	v11 =	vld.idx.msk [tilespmem:v11+s17+$0x0], $0xffff  }
0x255: {  	[tilespmem:s18+$0x20] =	vst v15;
	v10 =	vld.idx.msk [tilespmem:v10+s17+$0x0], $0xffff  }
0x256: {  	v13 =	vld.idx.msk [tilespmem:v16+s17+$0x0], $0xffff;
	[tilespmem:s20+$0xFFFFFFC0] =	vst v9  }
0x257: {  	v9 =	vld.idx.msk [tilespmem:v14+s17+$0x0], $0xffff;
	[tilespmem:s20+$0xFFFFFFD0] =	vst v12  }
0x258: {  	[tilespmem:s20+$0xFFFFFFE0] =	vst v8  }
0x259: {  	[tilespmem:s20+$0xFFFFFFF0] =	vst v11  }
0x25a: {  	[tilespmem:s20+$0x0] =	vst v10  }
0x25b: {  	[tilespmem:s20+$0x20] =	vst v13  }
0x25c: {  	[tilespmem:s20+$0x10] =	vst v9  }
0x25d: {  	s18 =	rddreg [dreg:$0xb]  }
0x25e: {  	[hbm4b:s18+s0] =	stream.strided.scatter [tilespmem:s1], [sflag:$0xA], $0x1000, s30, s0, $0x38;
	[tilespmem:$0x1FC00] =	vst v63  }
0x25f: {  	_ =	swait.ge [sflag:s28], $0x3980  }
0x260: {  	[sflag:s28] =	ssyncset.done $0x0  }
0x261: {  	[sflag:s28] =	ssyncadd.s32 $0xFFFFC680  }
0x262: {  	_ =	swait.ge [sflag:s21], $0x1000  }
0x263: {  	[sflag:s21] =	ssyncset.done $0x0  }
0x264: {  	s22 =	simm.s32 $0x1CC40;
	[sflag:s21] =	ssyncadd.s32 $0xFFFFF000  }
0x265: {  	v8 =	vld [tilespmem:s22+$0x30]  }
0x266: {  	v9 =	vld [tilespmem:s22+$0xFFFFFFD0]  }
0x267: {  	v11 =	vld [tilespmem:s22+$0xFFFFFFF0]  }
0x268: {  	v12 =	vld [tilespmem:s22+$0x0]  }
0x269: {  	v13 =	vld [tilespmem:s22+$0x10]  }
0x26a: {  	v15 =	vld [tilespmem:s22+$0x20]  }
0x26b: {  	v17 =	vld [tilespmem:s22+$0xFFFFFFC0]  }
0x26c: {  	v14 =	vshll.u32 v8, $0x3;
	v8 =	vand.u32 $0x7F, v8  }
0x26d: {  	v16 =	vshll.u32 v9, $0x3;
	v18 =	vshll.u32 v11, $0x3;
	v14 =	vand.u32 $0xFFFFFC00, v14  }
0x26e: {  	v10 =	vld [tilespmem:s22+$0xFFFFFFE0];
	v9 =	vand.u32 $0x7F, v9;
	v19 =	vshll.u32 v12, $0x3;
	v8 =	vor.u32 v14, v8  }
0x26f: {  	v20 =	vshll.u32 v13, $0x3;
	v11 =	vand.u32 $0x7F, v11;
	v8 =	vor.u32 v7, v8  }
0x270: {  	v21 =	vshll.u32 v15, $0x3;
	v22 =	vshll.u32 v17, $0x3;
	v17 =	vand.u32 $0x7F, v17  }
0x271: {  	s24 =	simm.s32 $0x1CCC0;
	v18 =	vand.u32 $0xFFFFFC00, v18;
	v19 =	vand.u32 $0xFFFFFC00, v19;
	v20 =	vand.u32 $0xFFFFFC00, v20  }
0x272: {  	v21 =	vand.u32 $0xFFFFFC00, v21;
	v14 =	vand.u32 $0xFFFFFC00, v16;
	v11 =	vor.u32 v18, v11;
	v18 =	vld [tilespmem:s24+$0xFFFFFFF0]  }
0x273: {  	v16 =	vshll.u32 v10, $0x3;
	v9 =	vor.u32 v14, v9;
	v14 =	vand.u32 $0x7F, v15;
	v15 =	vld [tilespmem:s24+$0xFFFFFFD0]  }
0x274: {  	v22 =	vand.u32 $0xFFFFFC00, v22;
	v10 =	vand.u32 $0x7F, v10;
	v16 =	vand.u32 $0xFFFFFC00, v16;
	v23 =	vld.idx.msk [tilespmem:v8+s17+$0x0], $0xffff  }
0x275: {  	v8 =	vand.u32 $0x7F, v12;
	v12 =	vand.u32 $0x7F, v13;
	v13 =	vor.u32 v22, v17;
	v17 =	vld [tilespmem:s24+$0x30]  }
0x276: {  	v25 =	vld [tilespmem:s24+$0x20];
	v10 =	vor.u32 v16, v10;
	v14 =	vor.u32 v21, v14;
	v9 =	vor.u32 v7, v9  }
0x277: {  	v16 =	vld [tilespmem:s24+$0xFFFFFFE0];
	v10 =	vor.u32 v7, v10;
	v24 =	vor.u32 v7, v14;
	v32 =	vand.u32 $0x7F, v18  }
0x278: {  	v21 =	vld [tilespmem:s24+$0xFFFFFFC0];
	v14 =	vshll.u32 v15, $0x3;
	v8 =	vor.u32 v19, v8;
	v13 =	vor.u32 v7, v13  }
0x279: {  	v15 =	vand.u32 $0x7F, v15;
	v12 =	vor.u32 v20, v12;
	v20 =	vld [tilespmem:s24+$0x0];
	v8 =	vor.u32 v7, v8  }
0x27a: {  	v19 =	vor.u32 v7, v11;
	v22 =	vor.u32 v7, v12;
	v12 =	vld [tilespmem:s24+$0x10];
	v11 =	vshll.u32 v17, $0x3  }
0x27b: {  	v26 =	vand.u32 $0xFFFFFC00, v14;
	v17 =	vand.u32 $0x7F, v17;
	v11 =	vand.u32 $0xFFFFFC00, v11  }
0x27c: {  	v14 =	vshll.u32 v16, $0x3;
	v30 =	vand.u32 $0x7F, v16;
	v10 =	vld.idx.msk [tilespmem:v10+s17+$0x0], $0xffff;
	v11 =	vor.u32 v11, v17  }
0x27d: {  	v27 =	vand.u32 $0xFFFFFC00, v14;
	v14 =	vshll.u32 v18, $0x3;
	v13 =	vld.idx.msk [tilespmem:v13+s17+$0x0], $0xffff;
	v28 =	vor.u32 v7, v11  }
0x27e: {  	v16 =	vshll.u32 v25, $0x3;
	v18 =	vand.u32 $0x7F, v21;
	v29 =	vand.u32 $0xFFFFFC00, v14;
	v8 =	vld.idx.msk [tilespmem:v8+s17+$0x0], $0xffff  }
0x27f: {  	v14 =	vshll.u32 v20, $0x3;
	v17 =	vshll.u32 v21, $0x3;
	v11 =	vld.idx.msk [tilespmem:v9+s17+$0x0], $0xffff;
	v9 =	vshll.u32 v12, $0x3  }
0x280: {  	v31 =	vand.u32 $0xFFFFFC00, v14;
	v14 =	vand.u32 $0xFFFFFC00, v9;
	v9 =	vld.idx.msk [tilespmem:v19+s17+$0x0], $0xffff;
	v19 =	vand.u32 $0xFFFFFC00, v17  }
0x281: {  	s24 =	simm.s32 $0x1EC70;
	v16 =	vand.u32 $0xFFFFFC00, v16;
	v21 =	vor.u32 v19, v18;
	v19 =	vor.u32 v26, v15;
	v15 =	vld.idx.msk [tilespmem:v24+s17+$0x0], $0xffff  }
0x282: {  	[tilespmem:s24+$0x0] =	vst v23;
	v23 =	vor.u32 v27, v30;
	v20 =	vand.u32 $0x7F, v20;
	v17 =	vand.u32 $0x7F, v12;
	v12 =	vld.idx.msk [tilespmem:v28+s17+$0x0], $0xffff  }
0x283: {  	s20 =	simm.s32 $0x8;
	s18 =	simm.s32 $0x1EC70;
	s22 =	simm.s32 $0x1CD40;
	v20 =	vor.u32 v31, v20;
	v18 =	vand.u32 $0x7F, v25;
	[tilespmem:s24+$0xFFFFFF90] =	vst v13;
	v13 =	vld.idx.msk [tilespmem:v22+s17+$0x0], $0xffff;
	v22 =	vor.u32 v29, v32  }
.LBB2_32:
0x284: {  	v24 =	vld [tilespmem:s22+$0x30];
	s20 =	sadd.s32 $0x8, s20;
	v21 =	vor.u32 v7, v21;
	v14 =	vor.u32 v14, v17;
	v16 =	vor.u32 v16, v18;
	[tilespmem:s24+$0xFFFFFFA0] =	vst v11  }
0x285: {  	v17 =	vor.u32 v7, v19;
	v18 =	vor.u32 v7, v23;
	v19 =	vor.u32 v7, v22;
	v11 =	vld [tilespmem:s22+$0xFFFFFFD0];
	p0 =	slt.u32 s20, $0xF8;
	[tilespmem:s24+$0xFFFFFFB0] =	vst v10  }
0x286: {  	v20 =	vor.u32 v7, v20;
	v22 =	vor.u32 v7, v14;
	v25 =	vor.u32 v7, v16;
	s24 =	sadd.s32 $0x80, s24;
	v10 =	vld [tilespmem:s22+$0xFFFFFFE0];
	[tilespmem:s18+$0xFFFFFFC0] =	vst v9  }
0x287: {  	v9 =	vld [tilespmem:s22+$0xFFFFFFF0];
	[tilespmem:s24+$0x0] =	vst v12  }
0x288: {  	v12 =	vld [tilespmem:s22+$0x0];
	[tilespmem:s18+$0xFFFFFFD0] =	vst v8  }
0x289: {  	v23 =	vld [tilespmem:s22+$0x10];
	v8 =	vshll.u32 v24, $0x3;
	[tilespmem:s18+$0xFFFFFFE0] =	vst v13  }
0x28a: {  	v14 =	vand.u32 $0x7F, v24;
	v13 =	vshll.u32 v11, $0x3;
	v26 =	vld [tilespmem:s22+$0x20];
	v8 =	vand.u32 $0xFFFFFC00, v8;
	[tilespmem:s18+$0xFFFFFFF0] =	vst v15;
	s18 =	smov.u32 s24  }
0x28b: {  	v15 =	vld [tilespmem:s22+$0xFFFFFFC0];
	v13 =	vand.u32 $0xFFFFFC00, v13;
	v16 =	vshll.u32 v10, $0x3;
	v8 =	vor.u32 v8, v14  }
0x28c: {  	v24 =	vand.u32 $0xFFFFFC00, v16;
	v14 =	vshll.u32 v9, $0x3;
	v27 =	vor.u32 v7, v8;
	v28 =	vld.idx.msk [tilespmem:v21+s17+$0x0], $0xffff  }
0x28d: {  	v29 =	vand.u32 $0x7F, v11;
	v30 =	vand.u32 $0xFFFFFC00, v14;
	v8 =	vshll.u32 v12, $0x3;
	v11 =	vld.idx.msk [tilespmem:v17+s17+$0x0], $0xffff  }
0x28e: {  	v31 =	vand.u32 $0x7F, v10;
	v32 =	vand.u32 $0xFFFFFC00, v8;
	v8 =	vshll.u32 v23, $0x3;
	v10 =	vld.idx.msk [tilespmem:v18+s17+$0x0], $0xffff  }
.Ltmp15:
0x28f: {  	v33 =	vand.u32 $0x7F, v9;
	v14 =	vand.u32 $0xFFFFFC00, v8;
	v8 =	vshll.u32 v26, $0x3;
	v9 =	vld.idx.msk [tilespmem:v19+s17+$0x0], $0xffff;
	(pc) =	sbr.rel @p0 .LBB2_32-.Ltmp15, $4  }
0x290: {  	v18 =	vand.u32 $0x7F, v15;
	v15 =	vshll.u32 v15, $0x3;
	v16 =	vand.u32 $0xFFFFFC00, v8;
	v8 =	vld.idx.msk [tilespmem:v20+s17+$0x0], $0xffff  }
0x291: {  	v17 =	vand.u32 $0x7F, v23;
	v20 =	vand.u32 $0x7F, v12;
	v15 =	vand.u32 $0xFFFFFC00, v15;
	v12 =	vld.idx.msk [tilespmem:v27+s17+$0x0], $0xffff  }
0x292: {  	v19 =	vor.u32 v13, v29;
	v21 =	vor.u32 v15, v18;
	v18 =	vand.u32 $0x7F, v26;
	[tilespmem:s24+$0xFFFFFF90] =	vst v28;
	v13 =	vld.idx.msk [tilespmem:v22+s17+$0x0], $0xffff  }
0x293: {  	s22 =	sadd.s32 $0x80, s22;
	v23 =	vor.u32 v24, v31;
	v20 =	vor.u32 v32, v20;
	v22 =	vor.u32 v30, v33;
	v15 =	vld.idx.msk [tilespmem:v25+s17+$0x0], $0xffff  }
0x294: {  	v21 =	vor.u32 v7, v21  }
0x295: {  	v19 =	vor.u32 v7, v19  }
0x296: {  	v23 =	vor.u32 v7, v23  }
0x297: {  	[tilespmem:s24+$0xFFFFFFA0] =	vst v11;
	v58 =	vor.u32 v7, v22  }
0x298: {  	v14 =	vor.u32 v14, v17;
	[tilespmem:s24+$0xFFFFFFB0] =	vst v10;
	v59 =	vor.u32 v7, v20  }
0x299: {  	v16 =	vor.u32 v16, v18;
	[tilespmem:s18+$0xFFFFFFC0] =	vst v9;
	v14 =	vor.u32 v7, v14;
	v60 =	vld.idx.msk [tilespmem:v21+s17+$0x0], $0xffff  }
0x29a: {  	s20 =	sadd.s32 $0x80, s24;
	v16 =	vor.u32 v7, v16;
	[tilespmem:s18+$0xFFFFFFD0] =	vst v8;
	v61 =	vld.idx.msk [tilespmem:v19+s17+$0x0], $0xffff  }
0x29b: {  	[tilespmem:s20+$0x0] =	vst v12;
	v8 =	vld.idx.msk [tilespmem:v23+s17+$0x0], $0xffff  }
0x29c: {  	[tilespmem:s18+$0xFFFFFFE0] =	vst v13;
	v11 =	vld.idx.msk [tilespmem:v58+s17+$0x0], $0xffff  }
0x29d: {  	[tilespmem:s18+$0xFFFFFFF0] =	vst v15;
	v10 =	vld.idx.msk [tilespmem:v59+s17+$0x0], $0xffff  }
0x29e: {  	v62 =	vld.idx.msk [tilespmem:v14+s17+$0x0], $0xffff;
	[tilespmem:s20+$0xFFFFFF90] =	vst v60  }
0x29f: {  	v63 =	vld.idx.msk [tilespmem:v16+s17+$0x0], $0xffff;
	[tilespmem:s20+$0xFFFFFFA0] =	vst v61  }
0x2a0: {  	[tilespmem:s20+$0xFFFFFFB0] =	vst v8  }
0x2a1: {  	[tilespmem:s20+$0xFFFFFFC0] =	vst v11  }
0x2a2: {  	[tilespmem:s20+$0xFFFFFFD0] =	vst v10  }
0x2a3: {  	[tilespmem:s20+$0xFFFFFFE0] =	vst v62  }
0x2a4: {  	[tilespmem:s20+$0xFFFFFFF0] =	vst v63  }
0x2a5: {  	s18 =	rddreg [dreg:$0xc]  }
0x2a6: {  	[hbm4b:s18+s0] =	stream.strided.scatter [tilespmem:s19], [sflag:$0xA], $0x1000, s30, s0, $0x38;
	[tilespmem:$0x1FC00] =	vst v63  }
0x2a7: {  	_ =	swait.ge [sflag:s21], $0x1000  }
0x2a8: {  	[sflag:s21] =	ssyncset.done $0x0  }
0x2a9: {  	[sflag:s21] =	ssyncadd.s32 $0xFFFFF000  }
0x2aa: {  	_ =	swait.ge [sflag:s21], $0x1000  }
0x2ab: {  	s31 =	sadd.s32 $0x1, s31;
	s24 =	rddreg [dreg:$0xd]  }
0x2ac: {  	p0 =	sne.s32 s31, s24  }
.Ltmp16:
0x2ad: {  	_ = 	snop;
	(pc) =	sbr.rel @p0 .LBB2_1-.Ltmp16, $3  }
0x2ae: {  	_ =	sdelay $0x1  }
0x2af: {  	[sflag:s21] =	ssyncset.done $0x0  }
0x2b0: {  	[sflag:s21] =	ssyncadd.s32 $0xFFFFF000  }
0x2b1: {  	_ =	sfence.sel $0x180000  }
0x2b2: {  	[bflag:$0x0] =	sbarrier.arrive $0xFFFF  }
0x2b3: {  	_ =	strace $0x90000047  }
0x2b4: {  	s0 =	stileid.u32;
	[bflag:$0x2] =	sbarrier.arrive $0xFFFF  }
0x2b5: {  	p0 =	sne.s32 s0, $0x0;
	s0 =	rddreg [dreg:$0x3]  }
0x2b6: {  	s0 =	sadd.s32 @!p0 $0x100000, s0  }
0x2b7: {  	[sflag:s0] =	ssyncadd.tile.s32 @!p0 $0x1;
	_ =	shalt  }
.Lfunc_end2:
_tile_overlayer_lowered:
.L_overlay_start_2:
0x2b8: {  	(tag) =	ssettag $0x2  }
0x2b9: {  	s0 =	rddreg [dreg:$0x0];
	s2 =	stileid.u32  }
0x2ba: {  	s1 =	rddreg [dreg:$0x1];
	p0 =	sne.s32 s2, $0x0  }
0x2bb: {  	s3 =	rddreg [dreg:$0x2];
	[bflag:$0x3] =	sbarrier.arrive $0xFFFF;
	s2 =	simm.s32 @!p0 $0x1C0B  }
0x2bc: {  	[timem:s3], [sflag:s2] =	dma.local @!p0 [hbm:s0], s1  }
0x2bd: {  	s0 =	simm.s32 @!p0 $0xB  }
0x2be: {  	_ =	swait.ge @!p0 [sflag:s0], s1  }
0x2bf: {  	s1 =	ssub.s32 @!p0 $0x0, s1;
	[sflag:s0] =	ssyncset.done @!p0 $0x0  }
0x2c0: {  	[sflag:s0] =	ssyncadd.s32 @!p0 s1  }
0x2c1: {  	[bflag:$0x3] =	sbarrier.arrive $0xFFFF  }
0x2c2: {  	_ =	shalt  }

</sc_bundles>
